<compile_context>
chip_gen: v7x
topology: tpu7x:2x2x1
jax: 0.10.2.dev20260603
libtpu: 0.0.44.dev20260713+nightly
codegen_flags: <defaults>
</compile_context>

<pallas_src>
import functools
import math

import jax
import jax.numpy as jnp
from jax import lax
from jax.experimental import pallas as pl
from jax.experimental.pallas import tpu as pltpu
from jax.experimental.pallas import tpu_sc as plsc

_PHI = (1 + math.sqrt(5)) / 2
_ALPHA = 1 / _PHI
_BETA = 1 / _PHI ** 2

_DIM = 1910
_NPAD = 2048
_KCOLS = 955
_H_ELEMS = _KCOLS * _NPAD

_CB = 2048
_NSUB = 16

_ZB = 10240
_OUT_CHUNKS = _H_ELEMS // _ZB

_BM = 512


def _make_scatter_body(nz):
    ncht = -(-nz // _CB)
    nh = -(-ncht // _NSUB)

    def body(widx_hbm, v_hbm, rct_hbm, vt_hbm, z_hbm, out_hbm,
             shared, sem, sem_rc, sem_v, sem_sc):
        cid = lax.axis_index("c")
        sid = lax.axis_index("s")
        base = cid * _KCOLS

        def inner(rc_v, v_v, idx_b):
            def zchunk(it, _):
                ch = sid + it * _NSUB
                @pl.when(ch < _OUT_CHUNKS)
                def _():
                    pltpu.async_copy(z_hbm, shared.at[pl.ds(ch * _ZB, _ZB)],
                                     sem)
                return 0
            lax.fori_loop(0, -(-_OUT_CHUNKS // _NSUB), zchunk, 0)

            def zdrain(it, _):
                ch = sid + it * _NSUB
                @pl.when(ch < _OUT_CHUNKS)
                def _():
                    pltpu.make_async_copy(
                        z_hbm, shared.at[pl.ds(ch * _ZB, _ZB)], sem).wait()
                return 0
            lax.fori_loop(0, -(-_OUT_CHUNKS // _NSUB), zdrain, 0)
            plsc.subcore_barrier()

            def fire_rc(h):
                gch = sid + h * _NSUB
                @pl.when(gch < ncht)
                def _():
                    @pl.when(gch == ncht - 1)
                    def _():
                        pltpu.async_copy(rct_hbm, rc_v, sem_rc)
                    @pl.when(gch < ncht - 1)
                    def _():
                        pltpu.async_copy(
                            widx_hbm.at[:, pl.ds(gch * _CB, _CB)], rc_v,
                            sem_rc)

            def fire_v(h):
                gch = sid + h * _NSUB
                @pl.when(gch < ncht)
                def _():
                    @pl.when(gch == ncht - 1)
                    def _():
                        pltpu.async_copy(vt_hbm, v_v, sem_v)
                    @pl.when(gch < ncht - 1)
                    def _():
                        pltpu.async_copy(v_hbm.at[pl.ds(gch * _CB, _CB)],
                                         v_v, sem_v)

            fire_rc(0)
            fire_v(0)

            def chunk(h, _):
                gch = sid + h * _NSUB

                @pl.when(gch < ncht)
                def _():
                    pltpu.make_async_copy(rct_hbm, rc_v, sem_rc).wait()
                    pltpu.make_async_copy(vt_hbm, v_v, sem_v).wait()

                    def row(j, _):
                        for k in range(8):
                            off = j * 128 + k * 16
                            r16 = rc_v[0, pl.ds(off, 16)]
                            c16 = rc_v[1, pl.ds(off, 16)]
                            loc = c16 - base
                            flat = loc * _NPAD + r16
                            ok = plsc.bitcast(loc, jnp.uint32) < _KCOLS
                            idx_b[j, pl.ds(k * 16, 16)] = jnp.where(
                                ok, flat, -1)
                        return 0
                    lax.fori_loop(0, _CB // 128, row, 0)
                    descs = [
                        pltpu.async_copy(
                            v_v.at[pl.ds(j * 128, 128)],
                            shared.at[plsc.Indices(idx_b.at[j],
                                                   ignored_value=-1)],
                            sem_sc, add=True)
                        for j in range(_CB // 128)
                    ]
                    fire_rc(h + 1)
                    for d in descs:
                        d.wait()
                    fire_v(h + 1)
                return 0
            lax.fori_loop(0, nh, chunk, 0)
            plsc.subcore_barrier()

            def ochunk(it, _):
                ch = sid + it * _NSUB
                @pl.when(ch < _OUT_CHUNKS)
                def _():
                    pltpu.async_copy(
                        shared.at[pl.ds(ch * _ZB, _ZB)],
                        out_hbm.at[pl.ds(cid * _H_ELEMS + ch * _ZB, _ZB)],
                        sem)
                return 0
            lax.fori_loop(0, -(-_OUT_CHUNKS // _NSUB), ochunk, 0)

            def odrain(it, _):
                ch = sid + it * _NSUB
                @pl.when(ch < _OUT_CHUNKS)
                def _():
                    pltpu.make_async_copy(
                        shared.at[pl.ds(ch * _ZB, _ZB)],
                        out_hbm.at[pl.ds(cid * _H_ELEMS + ch * _ZB, _ZB)],
                        sem).wait()
                return 0
            lax.fori_loop(0, -(-_OUT_CHUNKS // _NSUB), odrain, 0)

        pl.run_scoped(
            inner,
            pltpu.VMEM((2, _CB), jnp.int32),
            pltpu.VMEM((_CB,), jnp.float32),
            pltpu.VMEM((_CB // 128, 128), jnp.int32),
        )

    return body


def _sc_scatter(W_indices, W_values):
    nz = W_values.shape[0]
    ncht = -(-nz // _CB)
    s0 = (ncht - 1) * _CB
    tail = nz - s0
    rct = jnp.zeros((2, _CB), jnp.int32).at[:, :tail].set(W_indices[:, s0:])
    vt = jnp.zeros((_CB,), jnp.float32).at[:tail].set(W_values[s0:])
    z = jnp.zeros((_ZB,), jnp.float32)
    mesh = plsc.VectorSubcoreMesh(core_axis_name="c", subcore_axis_name="s")
    f = functools.partial(
        pl.kernel,
        out_type=jax.ShapeDtypeStruct((2 * _H_ELEMS,), jnp.float32),
        mesh=mesh,
        scratch_types=[
            pltpu.VMEM_SHARED((_H_ELEMS,), jnp.float32),
            pltpu.SemaphoreType.DMA,
            pltpu.SemaphoreType.DMA,
            pltpu.SemaphoreType.DMA,
            pltpu.SemaphoreType.DMA,
        ],
    )(_make_scatter_body(nz))
    return f(W_indices, W_values, rct, vt, z)


def _ffn_body(x_ref, w_ref, o_ref):
    xf = x_ref[...]
    wx = lax.dot_general(
        xf.astype(jnp.bfloat16), w_ref[...], (((1,), (0,)), ((), ())),
        preferred_element_type=jnp.float32,
    )
    o_ref[...] = _ALPHA * xf + _BETA * wx[:, : o_ref.shape[1]]


def _ffn_matmul(xf, Wp):
    M, dim = xf.shape
    return pl.pallas_call(
        _ffn_body,
        grid=(M // _BM,),
        in_specs=[
            pl.BlockSpec((_BM, dim), lambda i: (i, 0)),
            pl.BlockSpec(Wp.shape, lambda i: (0, 0)),
        ],
        out_specs=pl.BlockSpec((_BM, dim), lambda i: (i, 0)),
        out_shape=jax.ShapeDtypeStruct((M, dim), jnp.float32),
    )(xf, Wp)


def kernel(x, W_indices, W_values):
    dim = x.shape[-1]
    xf = x.reshape(-1, dim)
    Wp = _sc_scatter(W_indices, W_values)
    Wp = Wp.reshape(dim, _NPAD).astype(jnp.bfloat16)
    out = _ffn_matmul(xf, Wp)
    return out.reshape(x.shape)

# --- scband reference (transcript-rebuilt; emitter-appended) ---
"""Pipeline reference for scband-phi-ffn-56650618634409 (READ-ONLY COPY).

The authoritative reference and input builder live on the scoring server;
editing this copy changes nothing except your own understanding.
"""

import jax, jax.numpy as jnp
import numpy as np
import math

PHI = (1 + math.sqrt(5)) / 2
ALPHA = 1 / PHI
BETA = 1 / PHI ** 2
DIM = 1910


def setup_inputs(seed: int = 0) -> dict:
    key = jax.random.key(seed)
    k1, k2, k3 = jax.random.split(key, 3)
    sparsity = 1 / PHI
    nz = int(DIM * DIM * sparsity)
    x = jax.random.normal(k1, (2, 2048, DIM), dtype=jnp.float32)
    # Buffers mirroring the torch module's sparse COO weight (duplicates allowed, summed on materialization)
    W_indices = jax.random.randint(k2, (2, nz), 0, DIM, dtype=jnp.int32)
    W_values = jax.random.normal(k3, (nz,), dtype=jnp.float32) / math.sqrt(DIM)
    return {"x": x, "W_indices": W_indices, "W_values": W_values}


def reference(x, W_indices, W_values):
    dim = x.shape[-1]
    orig_shape = x.shape
    xf = x.reshape(-1, dim)
    # Materialize sparse COO -> dense via scatter-add (duplicate indices are summed,
    # matching torch.sparse_coo_tensor coalescing semantics under sparse.mm)
    W = jnp.zeros((dim, dim), dtype=W_values.dtype).at[W_indices[0], W_indices[1]].add(W_values)
    # torch: Wx = (W @ xf.T).T  ==  xf @ W.T
    Wx = xf @ W.T
    out = ALPHA * xf + BETA * Wx
    return out.reshape(orig_shape)

if __name__ == "__main__":
    import jax
    _d = setup_inputs()
    print(jax.jit(kernel)(*tuple(_d.values())))

</pallas_src>

<mosaic_0001>
#map = affine_map<(d0, d1) -> (0, 0)>
#map1 = affine_map<(d0, d1) -> (0)>
module attributes {stable_mosaic.version = 14 : i64} {
  func.func @body(%arg0: i32, %arg1: i32, %arg2: memref<2x2254649xi32, #tpu.memory_space<hbm>>, %arg3: memref<2254649xf32, #tpu.memory_space<hbm>>, %arg4: memref<2x2048xi32, #tpu.memory_space<hbm>>, %arg5: memref<2048xf32, #tpu.memory_space<hbm>>, %arg6: memref<10240xf32, #tpu.memory_space<hbm>>, %arg7: memref<3911680xf32, #tpu.memory_space<hbm>>, %arg8: memref<1955840xf32, #tpu.memory_space<vmem_shared>>, %arg9: memref<!tpu.dma_semaphore, #tpu.memory_space<semaphore_mem>>, %arg10: memref<!tpu.dma_semaphore, #tpu.memory_space<semaphore_mem>>, %arg11: memref<!tpu.dma_semaphore, #tpu.memory_space<semaphore_mem>>, %arg12: memref<!tpu.dma_semaphore, #tpu.memory_space<semaphore_mem>>) attributes {dimension_semantics = [#tpu.dimension_semantics<core_parallel>, #tpu.dimension_semantics<subcore_parallel>], iteration_bounds = array<i64: 2, 16>, scalar_prefetch = 0 : i64, scratch_operands = 5 : i64, tpu.core_type = #tpu.core_type<sc_vector_subcore>, window_params = [{transform_indices = #map}, {transform_indices = #map1}, {transform_indices = #map}, {transform_indices = #map1}, {transform_indices = #map1}, {transform_indices = #map1}]} {
    %mul3A = arith.constant 955 : i32
    %mul3A_0 = arith.muli %arg0, %mul3A : i32
    "tpu.region"() ({
      %run_scoped3A = memref.alloca() : memref<2x2048xi32, #tpu.memory_space<vmem>>
      %run_scoped3A_1 = memref.alloca() : memref<2048xf32, #tpu.memory_space<vmem>>
      %run_scoped3A_2 = memref.alloca() : memref<16x128xi32, #tpu.memory_space<vmem>>
      %scan3A = arith.constant 0 : i32
      %scan3A_3 = arith.constant 0 : i32
      %scan3A_4 = arith.constant 12 : i32
      %scan3A_5 = arith.addi %scan3A_3, %scan3A_4 : i32
      %scan3A_6 = arith.constant 1 : i32
      %scan3A_7 = scf.for %scan3A_48 = %scan3A_3 to %scan3A_5 step %scan3A_6 iter_args(%scan3A_49 = %scan3A) -> (i32)  : i32 {
        %mul3A_50 = arith.constant 16 : i32
        %mul3A_51 = arith.muli %scan3A_48, %mul3A_50 : i32
        %add3A_52 = arith.addi %arg1, %mul3A_51 : i32
        %lt3A_53 = arith.constant 191 : i32
        %lt3A_54 = arith.cmpi slt, %add3A_52, %lt3A_53 : i32
        %convert_element_type3A_55 = arith.extui %lt3A_54 : i1 to i32
        %cond3A_56 = arith.constant 0 : i32
        %cond3A_57 = arith.cmpi ne, %convert_element_type3A_55, %cond3A_56 : i32
        scf.if %cond3A_57 {
          %mul3A_59 = arith.constant 10240 : i32
          %mul3A_60 = arith.muli %add3A_52, %mul3A_59 : i32
          %dma_start3A = tpu.memref_slice %arg8[%mul3A_60] : memref<1955840xf32, #tpu.memory_space<vmem_shared>> -> memref<10240xf32, #tpu.memory_space<vmem_shared>>
          tpu.enqueue_dma source(%arg6 : memref<10240xf32, #tpu.memory_space<hbm>>) target(%dma_start3A : memref<10240xf32, #tpu.memory_space<vmem_shared>>) target_semaphore(%arg9 : memref<!tpu.dma_semaphore, #tpu.memory_space<semaphore_mem>>)
        } else {
        }
        %scan3A_58 = arith.constant 0 : i32
        scf.yield %scan3A_58 : i32
      }
      %scan3A_8 = arith.constant 12 : i32
      %scan3A_9 = arith.constant 0 : i32
      %scan3A_10 = arith.constant 0 : i32
      %scan3A_11 = arith.constant 12 : i32
      %scan3A_12 = arith.addi %scan3A_10, %scan3A_11 : i32
      %scan3A_13 = arith.constant 1 : i32
      %scan3A_14 = scf.for %scan3A_48 = %scan3A_10 to %scan3A_12 step %scan3A_13 iter_args(%scan3A_49 = %scan3A_9) -> (i32)  : i32 {
        %mul3A_50 = arith.constant 16 : i32
        %mul3A_51 = arith.muli %scan3A_48, %mul3A_50 : i32
        %add3A_52 = arith.addi %arg1, %mul3A_51 : i32
        %lt3A_53 = arith.constant 191 : i32
        %lt3A_54 = arith.cmpi slt, %add3A_52, %lt3A_53 : i32
        %convert_element_type3A_55 = arith.extui %lt3A_54 : i1 to i32
        %cond3A_56 = arith.constant 0 : i32
        %cond3A_57 = arith.cmpi ne, %convert_element_type3A_55, %cond3A_56 : i32
        scf.if %cond3A_57 {
          %mul3A_59 = arith.constant 10240 : i32
          %mul3A_60 = arith.muli %add3A_52, %mul3A_59 : i32
          %dma_wait3A = tpu.memref_slice %arg8[%mul3A_60] : memref<1955840xf32, #tpu.memory_space<vmem_shared>> -> memref<10240xf32, #tpu.memory_space<vmem_shared>>
          tpu.wait_dma2 semaphore(%arg9 : memref<!tpu.dma_semaphore, #tpu.memory_space<semaphore_mem>>) src(%arg6 : memref<10240xf32, #tpu.memory_space<hbm>>) dst(%dma_wait3A : memref<10240xf32, #tpu.memory_space<vmem_shared>>)
        } else {
        }
        %scan3A_58 = arith.constant 0 : i32
        scf.yield %scan3A_58 : i32
      }
      %scan3A_15 = arith.constant 12 : i32
      %barrier3A = arith.constant 0 : index
      tpu.barrier barrier_id(%barrier3A)
      %add3A = arith.constant 0 : i32
      %add3A_16 = arith.addi %arg1, %add3A : i32
      %lt3A = arith.constant 1101 : i32
      %lt3A_17 = arith.cmpi slt, %add3A_16, %lt3A : i32
      %convert_element_type3A = arith.extui %lt3A_17 : i1 to i32
      %cond3A = arith.constant 0 : i32
      %cond3A_18 = arith.cmpi ne, %convert_element_type3A, %cond3A : i32
      scf.if %cond3A_18 {
        %eq3A = arith.constant 1100 : i32
        %eq3A_48 = arith.cmpi eq, %add3A_16, %eq3A : i32
        %convert_element_type3A_49 = arith.extui %eq3A_48 : i1 to i32
        %cond3A_50 = arith.constant 0 : i32
        %cond3A_51 = arith.cmpi ne, %convert_element_type3A_49, %cond3A_50 : i32
        scf.if %cond3A_51 {
          tpu.enqueue_dma source(%arg4 : memref<2x2048xi32, #tpu.memory_space<hbm>>) target(%run_scoped3A : memref<2x2048xi32, #tpu.memory_space<vmem>>) target_semaphore(%arg10 : memref<!tpu.dma_semaphore, #tpu.memory_space<semaphore_mem>>)
        } else {
        }
        %lt3A_52 = arith.constant 1100 : i32
        %lt3A_53 = arith.cmpi slt, %add3A_16, %lt3A_52 : i32
        %convert_element_type3A_54 = arith.extui %lt3A_53 : i1 to i32
        %cond3A_55 = arith.constant 0 : i32
        %cond3A_56 = arith.cmpi ne, %convert_element_type3A_54, %cond3A_55 : i32
        scf.if %cond3A_56 {
          %mul3A_57 = arith.constant 2048 : i32
          %mul3A_58 = arith.muli %add3A_16, %mul3A_57 : i32
          %dma_start3A = arith.constant 0 : i32
          %dma_start3A_59 = tpu.memref_slice %arg2[%dma_start3A, %mul3A_58] : memref<2x2254649xi32, #tpu.memory_space<hbm>> -> memref<2x2048xi32, #tpu.memory_space<hbm>>
          %dma_start3A_60 = arith.constant 0 : i32
          %dma_start3A_61 = tpu.memref_slice %arg2[%dma_start3A_60, %mul3A_58] : memref<2x2254649xi32, #tpu.memory_space<hbm>> -> memref<2x2048xi32, #tpu.memory_space<hbm>>
          tpu.enqueue_dma source(%dma_start3A_61 : memref<2x2048xi32, #tpu.memory_space<hbm>>) target(%run_scoped3A : memref<2x2048xi32, #tpu.memory_space<vmem>>) target_semaphore(%arg10 : memref<!tpu.dma_semaphore, #tpu.memory_space<semaphore_mem>>)
        } else {
        }
      } else {
      }
      %add3A_19 = arith.constant 0 : i32
      %add3A_20 = arith.addi %arg1, %add3A_19 : i32
      %lt3A_21 = arith.constant 1101 : i32
      %lt3A_22 = arith.cmpi slt, %add3A_20, %lt3A_21 : i32
      %convert_element_type3A_23 = arith.extui %lt3A_22 : i1 to i32
      %cond3A_24 = arith.constant 0 : i32
      %cond3A_25 = arith.cmpi ne, %convert_element_type3A_23, %cond3A_24 : i32
      scf.if %cond3A_25 {
        %eq3A = arith.constant 1100 : i32
        %eq3A_48 = arith.cmpi eq, %add3A_20, %eq3A : i32
        %convert_element_type3A_49 = arith.extui %eq3A_48 : i1 to i32
        %cond3A_50 = arith.constant 0 : i32
        %cond3A_51 = arith.cmpi ne, %convert_element_type3A_49, %cond3A_50 : i32
        scf.if %cond3A_51 {
          tpu.enqueue_dma source(%arg5 : memref<2048xf32, #tpu.memory_space<hbm>>) target(%run_scoped3A_1 : memref<2048xf32, #tpu.memory_space<vmem>>) target_semaphore(%arg11 : memref<!tpu.dma_semaphore, #tpu.memory_space<semaphore_mem>>)
        } else {
        }
        %lt3A_52 = arith.constant 1100 : i32
        %lt3A_53 = arith.cmpi slt, %add3A_20, %lt3A_52 : i32
        %convert_element_type3A_54 = arith.extui %lt3A_53 : i1 to i32
        %cond3A_55 = arith.constant 0 : i32
        %cond3A_56 = arith.cmpi ne, %convert_element_type3A_54, %cond3A_55 : i32
        scf.if %cond3A_56 {
          %mul3A_57 = arith.constant 2048 : i32
          %mul3A_58 = arith.muli %add3A_20, %mul3A_57 : i32
          %dma_start3A = tpu.memref_slice %arg3[%mul3A_58] : memref<2254649xf32, #tpu.memory_space<hbm>> -> memref<2048xf32, #tpu.memory_space<hbm>>
          %dma_start3A_59 = tpu.memref_slice %arg3[%mul3A_58] : memref<2254649xf32, #tpu.memory_space<hbm>> -> memref<2048xf32, #tpu.memory_space<hbm>>
          tpu.enqueue_dma source(%dma_start3A_59 : memref<2048xf32, #tpu.memory_space<hbm>>) target(%run_scoped3A_1 : memref<2048xf32, #tpu.memory_space<vmem>>) target_semaphore(%arg11 : memref<!tpu.dma_semaphore, #tpu.memory_space<semaphore_mem>>)
        } else {
        }
      } else {
      }
      %scan3A_26 = arith.constant 0 : i32
      %scan3A_27 = arith.constant 0 : i32
      %scan3A_28 = arith.constant 69 : i32
      %scan3A_29 = arith.addi %scan3A_27, %scan3A_28 : i32
      %scan3A_30 = arith.constant 1 : i32
      %scan3A_31 = scf.for %scan3A_48 = %scan3A_27 to %scan3A_29 step %scan3A_30 iter_args(%scan3A_49 = %scan3A_26) -> (i32)  : i32 {
        %mul3A_50 = arith.constant 16 : i32
        %mul3A_51 = arith.muli %scan3A_48, %mul3A_50 : i32
        %add3A_52 = arith.addi %arg1, %mul3A_51 : i32
        %lt3A_53 = arith.constant 1101 : i32
        %lt3A_54 = arith.cmpi slt, %add3A_52, %lt3A_53 : i32
        %convert_element_type3A_55 = arith.extui %lt3A_54 : i1 to i32
        %cond3A_56 = arith.constant 0 : i32
        %cond3A_57 = arith.cmpi ne, %convert_element_type3A_55, %cond3A_56 : i32
        scf.if %cond3A_57 {
          tpu.wait_dma2 semaphore(%arg10 : memref<!tpu.dma_semaphore, #tpu.memory_space<semaphore_mem>>) src(%arg4 : memref<2x2048xi32, #tpu.memory_space<hbm>>) dst(%run_scoped3A : memref<2x2048xi32, #tpu.memory_space<vmem>>)
          tpu.wait_dma2 semaphore(%arg11 : memref<!tpu.dma_semaphore, #tpu.memory_space<semaphore_mem>>) src(%arg5 : memref<2048xf32, #tpu.memory_space<hbm>>) dst(%run_scoped3A_1 : memref<2048xf32, #tpu.memory_space<vmem>>)
          %scan3A_59 = arith.constant 0 : i32
          %scan3A_60 = arith.constant 0 : i32
          %scan3A_61 = arith.constant 16 : i32
          %scan3A_62 = arith.addi %scan3A_60, %scan3A_61 : i32
          %scan3A_63 = arith.constant 1 : i32
          %scan3A_64 = scf.for %scan3A_356 = %scan3A_60 to %scan3A_62 step %scan3A_63 iter_args(%scan3A_357 = %scan3A_59) -> (i32)  : i32 {
            %mul3A_358 = arith.constant 128 : i32
            %mul3A_359 = arith.muli %scan3A_356, %mul3A_358 : i32
            %add3A_360 = arith.constant 0 : i32
            %add3A_361 = arith.addi %mul3A_359, %add3A_360 : i32
            %get3A = arith.constant 0 : i32
            %get3A_362 = arith.index_cast %get3A : i32 to index
            %get3A_363 = arith.index_cast %add3A_361 : i32 to index
            %get3A_364 = tpu.vector_load %run_scoped3A[%get3A_362, %get3A_363] {strides = array<i32>} : memref<2x2048xi32, #tpu.memory_space<vmem>>, vector<1x16xi32>,
            %get3A_365 = vector.shape_cast %get3A_364 : vector<1x16xi32> to vector<16xi32>
            %get3A_366 = arith.constant 1 : i32
            %get3A_367 = arith.index_cast %get3A_366 : i32 to index
            %get3A_368 = arith.index_cast %add3A_361 : i32 to index
            %get3A_369 = tpu.vector_load %run_scoped3A[%get3A_367, %get3A_368] {strides = array<i32>} : memref<2x2048xi32, #tpu.memory_space<vmem>>, vector<1x16xi32>,
            %get3A_370 = vector.shape_cast %get3A_369 : vector<1x16xi32> to vector<16xi32>
            %sub3A = vector.broadcast %mul3A_0 : i32 to vector<16xi32>
            %sub3A_371 = arith.subi %get3A_370, %sub3A : vector<16xi32>
            %mul3A_372 = arith.constant 2048 : i32
            %mul3A_373 = vector.broadcast %mul3A_372 : i32 to vector<16xi32>
            %mul3A_374 = arith.muli %sub3A_371, %mul3A_373 : vector<16xi32>
            %add3A_375 = arith.addi %mul3A_374, %get3A_365 : vector<16xi32>
            %bitcast3A = vector.bitcast %sub3A_371 : vector<16xi32> to vector<16xi32>
            %lt3A_376 = arith.constant 955 : i32
            %lt3A_377 = vector.broadcast %lt3A_376 : i32 to vector<16xi32>
            %lt3A_378 = arith.cmpi ult, %bitcast3A, %lt3A_377 : vector<16xi32>
            %jit3A = arith.constant -1 : i32
            %broadcast_in_dim3A = vector.broadcast %jit3A : i32 to vector<16xi32>
            %select_n3A = arith.select %lt3A_378, %add3A_375, %broadcast_in_dim3A : vector<16xi1>, vector<16xi32>
            %swap3A = arith.index_cast %scan3A_356 : i32 to index
            %swap3A_379 = arith.constant 0 : index
            %swap3A_380 = tpu.vector_load %run_scoped3A_2[%swap3A, %swap3A_379] {strides = array<i32>} : memref<16x128xi32, #tpu.memory_space<vmem>>, vector<1x16xi32>,
            %swap3A_381 = vector.shape_cast %swap3A_380 : vector<1x16xi32> to vector<16xi32>
            %swap3A_382 = vector.shape_cast %select_n3A : vector<16xi32> to vector<1x16xi32>
            tpu.vector_store %run_scoped3A_2[%swap3A, %swap3A_379], %swap3A_382 {strides = array<i32>} : memref<16x128xi32, #tpu.memory_space<vmem>>, vector<1x16xi32>,
            %mul3A_383 = arith.constant 128 : i32
            %mul3A_384 = arith.muli %scan3A_356, %mul3A_383 : i32
            %add3A_385 = arith.constant 16 : i32
            %add3A_386 = arith.addi %mul3A_384, %add3A_385 : i32
            %get3A_387 = arith.constant 0 : i32
            %get3A_388 = arith.index_cast %get3A_387 : i32 to index
            %get3A_389 = arith.index_cast %add3A_386 : i32 to index
            %get3A_390 = tpu.vector_load %run_scoped3A[%get3A_388, %get3A_389] {strides = array<i32>} : memref<2x2048xi32, #tpu.memory_space<vmem>>, vector<1x16xi32>,
            %get3A_391 = vector.shape_cast %get3A_390 : vector<1x16xi32> to vector<16xi32>
            %get3A_392 = arith.constant 1 : i32
            %get3A_393 = arith.index_cast %get3A_392 : i32 to index
            %get3A_394 = arith.index_cast %add3A_386 : i32 to index
            %get3A_395 = tpu.vector_load %run_scoped3A[%get3A_393, %get3A_394] {strides = array<i32>} : memref<2x2048xi32, #tpu.memory_space<vmem>>, vector<1x16xi32>,
            %get3A_396 = vector.shape_cast %get3A_395 : vector<1x16xi32> to vector<16xi32>
            %sub3A_397 = vector.broadcast %mul3A_0 : i32 to vector<16xi32>
            %sub3A_398 = arith.subi %get3A_396, %sub3A_397 : vector<16xi32>
            %mul3A_399 = arith.constant 2048 : i32
            %mul3A_400 = vector.broadcast %mul3A_399 : i32 to vector<16xi32>
            %mul3A_401 = arith.muli %sub3A_398, %mul3A_400 : vector<16xi32>
            %add3A_402 = arith.addi %mul3A_401, %get3A_391 : vector<16xi32>
            %bitcast3A_403 = vector.bitcast %sub3A_398 : vector<16xi32> to vector<16xi32>
            %lt3A_404 = arith.constant 955 : i32
            %lt3A_405 = vector.broadcast %lt3A_404 : i32 to vector<16xi32>
            %lt3A_406 = arith.cmpi ult, %bitcast3A_403, %lt3A_405 : vector<16xi32>
            %jit3A_407 = arith.constant -1 : i32
            %broadcast_in_dim3A_408 = vector.broadcast %jit3A_407 : i32 to vector<16xi32>
            %select_n3A_409 = arith.select %lt3A_406, %add3A_402, %broadcast_in_dim3A_408 : vector<16xi1>, vector<16xi32>
            %swap3A_410 = arith.index_cast %scan3A_356 : i32 to index
            %swap3A_411 = arith.constant 16 : index
            %swap3A_412 = tpu.vector_load %run_scoped3A_2[%swap3A_410, %swap3A_411] {strides = array<i32>} : memref<16x128xi32, #tpu.memory_space<vmem>>, vector<1x16xi32>,
            %swap3A_413 = vector.shape_cast %swap3A_412 : vector<1x16xi32> to vector<16xi32>
            %swap3A_414 = vector.shape_cast %select_n3A_409 : vector<16xi32> to vector<1x16xi32>
            tpu.vector_store %run_scoped3A_2[%swap3A_410, %swap3A_411], %swap3A_414 {strides = array<i32>} : memref<16x128xi32, #tpu.memory_space<vmem>>, vector<1x16xi32>,
            %mul3A_415 = arith.constant 128 : i32
            %mul3A_416 = arith.muli %scan3A_356, %mul3A_415 : i32
            %add3A_417 = arith.constant 32 : i32
            %add3A_418 = arith.addi %mul3A_416, %add3A_417 : i32
            %get3A_419 = arith.constant 0 : i32
            %get3A_420 = arith.index_cast %get3A_419 : i32 to index
            %get3A_421 = arith.index_cast %add3A_418 : i32 to index
            %get3A_422 = tpu.vector_load %run_scoped3A[%get3A_420, %get3A_421] {strides = array<i32>} : memref<2x2048xi32, #tpu.memory_space<vmem>>, vector<1x16xi32>,
            %get3A_423 = vector.shape_cast %get3A_422 : vector<1x16xi32> to vector<16xi32>
            %get3A_424 = arith.constant 1 : i32
            %get3A_425 = arith.index_cast %get3A_424 : i32 to index
            %get3A_426 = arith.index_cast %add3A_418 : i32 to index
            %get3A_427 = tpu.vector_load %run_scoped3A[%get3A_425, %get3A_426] {strides = array<i32>} : memref<2x2048xi32, #tpu.memory_space<vmem>>, vector<1x16xi32>,
            %get3A_428 = vector.shape_cast %get3A_427 : vector<1x16xi32> to vector<16xi32>
            %sub3A_429 = vector.broadcast %mul3A_0 : i32 to vector<16xi32>
            %sub3A_430 = arith.subi %get3A_428, %sub3A_429 : vector<16xi32>
            %mul3A_431 = arith.constant 2048 : i32
            %mul3A_432 = vector.broadcast %mul3A_431 : i32 to vector<16xi32>
            %mul3A_433 = arith.muli %sub3A_430, %mul3A_432 : vector<16xi32>
            %add3A_434 = arith.addi %mul3A_433, %get3A_423 : vector<16xi32>
            %bitcast3A_435 = vector.bitcast %sub3A_430 : vector<16xi32> to vector<16xi32>
            %lt3A_436 = arith.constant 955 : i32
            %lt3A_437 = vector.broadcast %lt3A_436 : i32 to vector<16xi32>
            %lt3A_438 = arith.cmpi ult, %bitcast3A_435, %lt3A_437 : vector<16xi32>
            %jit3A_439 = arith.constant -1 : i32
            %broadcast_in_dim3A_440 = vector.broadcast %jit3A_439 : i32 to vector<16xi32>
            %select_n3A_441 = arith.select %lt3A_438, %add3A_434, %broadcast_in_dim3A_440 : vector<16xi1>, vector<16xi32>
            %swap3A_442 = arith.index_cast %scan3A_356 : i32 to index
            %swap3A_443 = arith.constant 32 : index
            %swap3A_444 = tpu.vector_load %run_scoped3A_2[%swap3A_442, %swap3A_443] {strides = array<i32>} : memref<16x128xi32, #tpu.memory_space<vmem>>, vector<1x16xi32>,
            %swap3A_445 = vector.shape_cast %swap3A_444 : vector<1x16xi32> to vector<16xi32>
            %swap3A_446 = vector.shape_cast %select_n3A_441 : vector<16xi32> to vector<1x16xi32>
            tpu.vector_store %run_scoped3A_2[%swap3A_442, %swap3A_443], %swap3A_446 {strides = array<i32>} : memref<16x128xi32, #tpu.memory_space<vmem>>, vector<1x16xi32>,
            %mul3A_447 = arith.constant 128 : i32
            %mul3A_448 = arith.muli %scan3A_356, %mul3A_447 : i32
            %add3A_449 = arith.constant 48 : i32
            %add3A_450 = arith.addi %mul3A_448, %add3A_449 : i32
            %get3A_451 = arith.constant 0 : i32
            %get3A_452 = arith.index_cast %get3A_451 : i32 to index
            %get3A_453 = arith.index_cast %add3A_450 : i32 to index
            %get3A_454 = tpu.vector_load %run_scoped3A[%get3A_452, %get3A_453] {strides = array<i32>} : memref<2x2048xi32, #tpu.memory_space<vmem>>, vector<1x16xi32>,
            %get3A_455 = vector.shape_cast %get3A_454 : vector<1x16xi32> to vector<16xi32>
            %get3A_456 = arith.constant 1 : i32
            %get3A_457 = arith.index_cast %get3A_456 : i32 to index
            %get3A_458 = arith.index_cast %add3A_450 : i32 to index
            %get3A_459 = tpu.vector_load %run_scoped3A[%get3A_457, %get3A_458] {strides = array<i32>} : memref<2x2048xi32, #tpu.memory_space<vmem>>, vector<1x16xi32>,
            %get3A_460 = vector.shape_cast %get3A_459 : vector<1x16xi32> to vector<16xi32>
            %sub3A_461 = vector.broadcast %mul3A_0 : i32 to vector<16xi32>
            %sub3A_462 = arith.subi %get3A_460, %sub3A_461 : vector<16xi32>
            %mul3A_463 = arith.constant 2048 : i32
            %mul3A_464 = vector.broadcast %mul3A_463 : i32 to vector<16xi32>
            %mul3A_465 = arith.muli %sub3A_462, %mul3A_464 : vector<16xi32>
            %add3A_466 = arith.addi %mul3A_465, %get3A_455 : vector<16xi32>
            %bitcast3A_467 = vector.bitcast %sub3A_462 : vector<16xi32> to vector<16xi32>
            %lt3A_468 = arith.constant 955 : i32
            %lt3A_469 = vector.broadcast %lt3A_468 : i32 to vector<16xi32>
            %lt3A_470 = arith.cmpi ult, %bitcast3A_467, %lt3A_469 : vector<16xi32>
            %jit3A_471 = arith.constant -1 : i32
            %broadcast_in_dim3A_472 = vector.broadcast %jit3A_471 : i32 to vector<16xi32>
            %select_n3A_473 = arith.select %lt3A_470, %add3A_466, %broadcast_in_dim3A_472 : vector<16xi1>, vector<16xi32>
            %swap3A_474 = arith.index_cast %scan3A_356 : i32 to index
            %swap3A_475 = arith.constant 48 : index
            %swap3A_476 = tpu.vector_load %run_scoped3A_2[%swap3A_474, %swap3A_475] {strides = array<i32>} : memref<16x128xi32, #tpu.memory_space<vmem>>, vector<1x16xi32>,
            %swap3A_477 = vector.shape_cast %swap3A_476 : vector<1x16xi32> to vector<16xi32>
            %swap3A_478 = vector.shape_cast %select_n3A_473 : vector<16xi32> to vector<1x16xi32>
            tpu.vector_store %run_scoped3A_2[%swap3A_474, %swap3A_475], %swap3A_478 {strides = array<i32>} : memref<16x128xi32, #tpu.memory_space<vmem>>, vector<1x16xi32>,
            %mul3A_479 = arith.constant 128 : i32
            %mul3A_480 = arith.muli %scan3A_356, %mul3A_479 : i32
            %add3A_481 = arith.constant 64 : i32
            %add3A_482 = arith.addi %mul3A_480, %add3A_481 : i32
            %get3A_483 = arith.constant 0 : i32
            %get3A_484 = arith.index_cast %get3A_483 : i32 to index
            %get3A_485 = arith.index_cast %add3A_482 : i32 to index
            %get3A_486 = tpu.vector_load %run_scoped3A[%get3A_484, %get3A_485] {strides = array<i32>} : memref<2x2048xi32, #tpu.memory_space<vmem>>, vector<1x16xi32>,
            %get3A_487 = vector.shape_cast %get3A_486 : vector<1x16xi32> to vector<16xi32>
            %get3A_488 = arith.constant 1 : i32
            %get3A_489 = arith.index_cast %get3A_488 : i32 to index
            %get3A_490 = arith.index_cast %add3A_482 : i32 to index
            %get3A_491 = tpu.vector_load %run_scoped3A[%get3A_489, %get3A_490] {strides = array<i32>} : memref<2x2048xi32, #tpu.memory_space<vmem>>, vector<1x16xi32>,
            %get3A_492 = vector.shape_cast %get3A_491 : vector<1x16xi32> to vector<16xi32>
            %sub3A_493 = vector.broadcast %mul3A_0 : i32 to vector<16xi32>
            %sub3A_494 = arith.subi %get3A_492, %sub3A_493 : vector<16xi32>
            %mul3A_495 = arith.constant 2048 : i32
            %mul3A_496 = vector.broadcast %mul3A_495 : i32 to vector<16xi32>
            %mul3A_497 = arith.muli %sub3A_494, %mul3A_496 : vector<16xi32>
            %add3A_498 = arith.addi %mul3A_497, %get3A_487 : vector<16xi32>
            %bitcast3A_499 = vector.bitcast %sub3A_494 : vector<16xi32> to vector<16xi32>
            %lt3A_500 = arith.constant 955 : i32
            %lt3A_501 = vector.broadcast %lt3A_500 : i32 to vector<16xi32>
            %lt3A_502 = arith.cmpi ult, %bitcast3A_499, %lt3A_501 : vector<16xi32>
            %jit3A_503 = arith.constant -1 : i32
            %broadcast_in_dim3A_504 = vector.broadcast %jit3A_503 : i32 to vector<16xi32>
            %select_n3A_505 = arith.select %lt3A_502, %add3A_498, %broadcast_in_dim3A_504 : vector<16xi1>, vector<16xi32>
            %swap3A_506 = arith.index_cast %scan3A_356 : i32 to index
            %swap3A_507 = arith.constant 64 : index
            %swap3A_508 = tpu.vector_load %run_scoped3A_2[%swap3A_506, %swap3A_507] {strides = array<i32>} : memref<16x128xi32, #tpu.memory_space<vmem>>, vector<1x16xi32>,
            %swap3A_509 = vector.shape_cast %swap3A_508 : vector<1x16xi32> to vector<16xi32>
            %swap3A_510 = vector.shape_cast %select_n3A_505 : vector<16xi32> to vector<1x16xi32>
            tpu.vector_store %run_scoped3A_2[%swap3A_506, %swap3A_507], %swap3A_510 {strides = array<i32>} : memref<16x128xi32, #tpu.memory_space<vmem>>, vector<1x16xi32>,
            %mul3A_511 = arith.constant 128 : i32
            %mul3A_512 = arith.muli %scan3A_356, %mul3A_511 : i32
            %add3A_513 = arith.constant 80 : i32
            %add3A_514 = arith.addi %mul3A_512, %add3A_513 : i32
            %get3A_515 = arith.constant 0 : i32
            %get3A_516 = arith.index_cast %get3A_515 : i32 to index
            %get3A_517 = arith.index_cast %add3A_514 : i32 to index
            %get3A_518 = tpu.vector_load %run_scoped3A[%get3A_516, %get3A_517] {strides = array<i32>} : memref<2x2048xi32, #tpu.memory_space<vmem>>, vector<1x16xi32>,
            %get3A_519 = vector.shape_cast %get3A_518 : vector<1x16xi32> to vector<16xi32>
            %get3A_520 = arith.constant 1 : i32
            %get3A_521 = arith.index_cast %get3A_520 : i32 to index
            %get3A_522 = arith.index_cast %add3A_514 : i32 to index
            %get3A_523 = tpu.vector_load %run_scoped3A[%get3A_521, %get3A_522] {strides = array<i32>} : memref<2x2048xi32, #tpu.memory_space<vmem>>, vector<1x16xi32>,
            %get3A_524 = vector.shape_cast %get3A_523 : vector<1x16xi32> to vector<16xi32>
            %sub3A_525 = vector.broadcast %mul3A_0 : i32 to vector<16xi32>
            %sub3A_526 = arith.subi %get3A_524, %sub3A_525 : vector<16xi32>
            %mul3A_527 = arith.constant 2048 : i32
            %mul3A_528 = vector.broadcast %mul3A_527 : i32 to vector<16xi32>
            %mul3A_529 = arith.muli %sub3A_526, %mul3A_528 : vector<16xi32>
            %add3A_530 = arith.addi %mul3A_529, %get3A_519 : vector<16xi32>
            %bitcast3A_531 = vector.bitcast %sub3A_526 : vector<16xi32> to vector<16xi32>
            %lt3A_532 = arith.constant 955 : i32
            %lt3A_533 = vector.broadcast %lt3A_532 : i32 to vector<16xi32>
            %lt3A_534 = arith.cmpi ult, %bitcast3A_531, %lt3A_533 : vector<16xi32>
            %jit3A_535 = arith.constant -1 : i32
            %broadcast_in_dim3A_536 = vector.broadcast %jit3A_535 : i32 to vector<16xi32>
            %select_n3A_537 = arith.select %lt3A_534, %add3A_530, %broadcast_in_dim3A_536 : vector<16xi1>, vector<16xi32>
            %swap3A_538 = arith.index_cast %scan3A_356 : i32 to index
            %swap3A_539 = arith.constant 80 : index
            %swap3A_540 = tpu.vector_load %run_scoped3A_2[%swap3A_538, %swap3A_539] {strides = array<i32>} : memref<16x128xi32, #tpu.memory_space<vmem>>, vector<1x16xi32>,
            %swap3A_541 = vector.shape_cast %swap3A_540 : vector<1x16xi32> to vector<16xi32>
            %swap3A_542 = vector.shape_cast %select_n3A_537 : vector<16xi32> to vector<1x16xi32>
            tpu.vector_store %run_scoped3A_2[%swap3A_538, %swap3A_539], %swap3A_542 {strides = array<i32>} : memref<16x128xi32, #tpu.memory_space<vmem>>, vector<1x16xi32>,
            %mul3A_543 = arith.constant 128 : i32
            %mul3A_544 = arith.muli %scan3A_356, %mul3A_543 : i32
            %add3A_545 = arith.constant 96 : i32
            %add3A_546 = arith.addi %mul3A_544, %add3A_545 : i32
            %get3A_547 = arith.constant 0 : i32
            %get3A_548 = arith.index_cast %get3A_547 : i32 to index
            %get3A_549 = arith.index_cast %add3A_546 : i32 to index
            %get3A_550 = tpu.vector_load %run_scoped3A[%get3A_548, %get3A_549] {strides = array<i32>} : memref<2x2048xi32, #tpu.memory_space<vmem>>, vector<1x16xi32>,
            %get3A_551 = vector.shape_cast %get3A_550 : vector<1x16xi32> to vector<16xi32>
            %get3A_552 = arith.constant 1 : i32
            %get3A_553 = arith.index_cast %get3A_552 : i32 to index
            %get3A_554 = arith.index_cast %add3A_546 : i32 to index
            %get3A_555 = tpu.vector_load %run_scoped3A[%get3A_553, %get3A_554] {strides = array<i32>} : memref<2x2048xi32, #tpu.memory_space<vmem>>, vector<1x16xi32>,
            %get3A_556 = vector.shape_cast %get3A_555 : vector<1x16xi32> to vector<16xi32>
            %sub3A_557 = vector.broadcast %mul3A_0 : i32 to vector<16xi32>
            %sub3A_558 = arith.subi %get3A_556, %sub3A_557 : vector<16xi32>
            %mul3A_559 = arith.constant 2048 : i32
            %mul3A_560 = vector.broadcast %mul3A_559 : i32 to vector<16xi32>
            %mul3A_561 = arith.muli %sub3A_558, %mul3A_560 : vector<16xi32>
            %add3A_562 = arith.addi %mul3A_561, %get3A_551 : vector<16xi32>
            %bitcast3A_563 = vector.bitcast %sub3A_558 : vector<16xi32> to vector<16xi32>
            %lt3A_564 = arith.constant 955 : i32
            %lt3A_565 = vector.broadcast %lt3A_564 : i32 to vector<16xi32>
            %lt3A_566 = arith.cmpi ult, %bitcast3A_563, %lt3A_565 : vector<16xi32>
            %jit3A_567 = arith.constant -1 : i32
            %broadcast_in_dim3A_568 = vector.broadcast %jit3A_567 : i32 to vector<16xi32>
            %select_n3A_569 = arith.select %lt3A_566, %add3A_562, %broadcast_in_dim3A_568 : vector<16xi1>, vector<16xi32>
            %swap3A_570 = arith.index_cast %scan3A_356 : i32 to index
            %swap3A_571 = arith.constant 96 : index
            %swap3A_572 = tpu.vector_load %run_scoped3A_2[%swap3A_570, %swap3A_571] {strides = array<i32>} : memref<16x128xi32, #tpu.memory_space<vmem>>, vector<1x16xi32>,
            %swap3A_573 = vector.shape_cast %swap3A_572 : vector<1x16xi32> to vector<16xi32>
            %swap3A_574 = vector.shape_cast %select_n3A_569 : vector<16xi32> to vector<1x16xi32>
            tpu.vector_store %run_scoped3A_2[%swap3A_570, %swap3A_571], %swap3A_574 {strides = array<i32>} : memref<16x128xi32, #tpu.memory_space<vmem>>, vector<1x16xi32>,
            %mul3A_575 = arith.constant 128 : i32
            %mul3A_576 = arith.muli %scan3A_356, %mul3A_575 : i32
            %add3A_577 = arith.constant 112 : i32
            %add3A_578 = arith.addi %mul3A_576, %add3A_577 : i32
            %get3A_579 = arith.constant 0 : i32
            %get3A_580 = arith.index_cast %get3A_579 : i32 to index
            %get3A_581 = arith.index_cast %add3A_578 : i32 to index
            %get3A_582 = tpu.vector_load %run_scoped3A[%get3A_580, %get3A_581] {strides = array<i32>} : memref<2x2048xi32, #tpu.memory_space<vmem>>, vector<1x16xi32>,
            %get3A_583 = vector.shape_cast %get3A_582 : vector<1x16xi32> to vector<16xi32>
            %get3A_584 = arith.constant 1 : i32
            %get3A_585 = arith.index_cast %get3A_584 : i32 to index
            %get3A_586 = arith.index_cast %add3A_578 : i32 to index
            %get3A_587 = tpu.vector_load %run_scoped3A[%get3A_585, %get3A_586] {strides = array<i32>} : memref<2x2048xi32, #tpu.memory_space<vmem>>, vector<1x16xi32>,
            %get3A_588 = vector.shape_cast %get3A_587 : vector<1x16xi32> to vector<16xi32>
            %sub3A_589 = vector.broadcast %mul3A_0 : i32 to vector<16xi32>
            %sub3A_590 = arith.subi %get3A_588, %sub3A_589 : vector<16xi32>
            %mul3A_591 = arith.constant 2048 : i32
            %mul3A_592 = vector.broadcast %mul3A_591 : i32 to vector<16xi32>
            %mul3A_593 = arith.muli %sub3A_590, %mul3A_592 : vector<16xi32>
            %add3A_594 = arith.addi %mul3A_593, %get3A_583 : vector<16xi32>
            %bitcast3A_595 = vector.bitcast %sub3A_590 : vector<16xi32> to vector<16xi32>
            %lt3A_596 = arith.constant 955 : i32
            %lt3A_597 = vector.broadcast %lt3A_596 : i32 to vector<16xi32>
            %lt3A_598 = arith.cmpi ult, %bitcast3A_595, %lt3A_597 : vector<16xi32>
            %jit3A_599 = arith.constant -1 : i32
            %broadcast_in_dim3A_600 = vector.broadcast %jit3A_599 : i32 to vector<16xi32>
            %select_n3A_601 = arith.select %lt3A_598, %add3A_594, %broadcast_in_dim3A_600 : vector<16xi1>, vector<16xi32>
            %swap3A_602 = arith.index_cast %scan3A_356 : i32 to index
            %swap3A_603 = arith.constant 112 : index
            %swap3A_604 = tpu.vector_load %run_scoped3A_2[%swap3A_602, %swap3A_603] {strides = array<i32>} : memref<16x128xi32, #tpu.memory_space<vmem>>, vector<1x16xi32>,
            %swap3A_605 = vector.shape_cast %swap3A_604 : vector<1x16xi32> to vector<16xi32>
            %swap3A_606 = vector.shape_cast %select_n3A_601 : vector<16xi32> to vector<1x16xi32>
            tpu.vector_store %run_scoped3A_2[%swap3A_602, %swap3A_603], %swap3A_606 {strides = array<i32>} : memref<16x128xi32, #tpu.memory_space<vmem>>, vector<1x16xi32>,
            %scan3A_607 = arith.constant 0 : i32
            scf.yield %scan3A_607 : i32
          }
          %scan3A_65 = arith.constant 16 : i32
          %dma_start3A = arith.constant 0 : i32
          %dma_start3A_66 = arith.constant 0 : i32
          %dma_start3A_67 = tpu.memref_slice %run_scoped3A_1[%dma_start3A_66] : memref<2048xf32, #tpu.memory_space<vmem>> -> memref<128xf32, #tpu.memory_space<vmem>>
          %dma_start3A_68 = arith.constant 0 : i32
          %dma_start3A_69 = tpu.memref_slice %run_scoped3A_2[%dma_start3A, %dma_start3A_68] : memref<16x128xi32, #tpu.memory_space<vmem>> -> memref<1x128xi32, #tpu.memory_space<vmem>>
          %dma_start3A_70 = tpu.memref_squeeze %dma_start3A_69 : memref<1x128xi32, #tpu.memory_space<vmem>> -> memref<128xi32, #tpu.memory_space<vmem>>
          %dma_start3A_71 = arith.constant 0 : i32
          %dma_start3A_72 = tpu.memref_slice %arg8[%dma_start3A_71] : memref<1955840xf32, #tpu.memory_space<vmem_shared>> -> memref<1955840xf32, #tpu.memory_space<vmem_shared>>
          %dma_start3A_73 = arith.constant -1 : i32
          tpu.enqueue_indirect_dma source(%dma_start3A_67 : memref<128xf32, #tpu.memory_space<vmem>>) target(%dma_start3A_72 : memref<1955840xf32, #tpu.memory_space<vmem_shared>>) offsets(%dma_start3A_70 : memref<128xi32, #tpu.memory_space<vmem>>) offset_filter(%dma_start3A_73) semaphore(%arg12 : memref<!tpu.dma_semaphore, #tpu.memory_space<semaphore_mem>>) {add = true}
          %dma_start3A_74 = arith.constant 1 : i32
          %dma_start3A_75 = arith.constant 128 : i32
          %dma_start3A_76 = tpu.memref_slice %run_scoped3A_1[%dma_start3A_75] : memref<2048xf32, #tpu.memory_space<vmem>> -> memref<128xf32, #tpu.memory_space<vmem>>
          %dma_start3A_77 = arith.constant 0 : i32
          %dma_start3A_78 = tpu.memref_slice %run_scoped3A_2[%dma_start3A_74, %dma_start3A_77] : memref<16x128xi32, #tpu.memory_space<vmem>> -> memref<1x128xi32, #tpu.memory_space<vmem>>
          %dma_start3A_79 = tpu.memref_squeeze %dma_start3A_78 : memref<1x128xi32, #tpu.memory_space<vmem>> -> memref<128xi32, #tpu.memory_space<vmem>>
          %dma_start3A_80 = arith.constant 0 : i32
          %dma_start3A_81 = tpu.memref_slice %arg8[%dma_start3A_80] : memref<1955840xf32, #tpu.memory_space<vmem_shared>> -> memref<1955840xf32, #tpu.memory_space<vmem_shared>>
          %dma_start3A_82 = arith.constant -1 : i32
          tpu.enqueue_indirect_dma source(%dma_start3A_76 : memref<128xf32, #tpu.memory_space<vmem>>) target(%dma_start3A_81 : memref<1955840xf32, #tpu.memory_space<vmem_shared>>) offsets(%dma_start3A_79 : memref<128xi32, #tpu.memory_space<vmem>>) offset_filter(%dma_start3A_82) semaphore(%arg12 : memref<!tpu.dma_semaphore, #tpu.memory_space<semaphore_mem>>) {add = true}
          %dma_start3A_83 = arith.constant 2 : i32
          %dma_start3A_84 = arith.constant 256 : i32
          %dma_start3A_85 = tpu.memref_slice %run_scoped3A_1[%dma_start3A_84] : memref<2048xf32, #tpu.memory_space<vmem>> -> memref<128xf32, #tpu.memory_space<vmem>>
          %dma_start3A_86 = arith.constant 0 : i32
          %dma_start3A_87 = tpu.memref_slice %run_scoped3A_2[%dma_start3A_83, %dma_start3A_86] : memref<16x128xi32, #tpu.memory_space<vmem>> -> memref<1x128xi32, #tpu.memory_space<vmem>>
          %dma_start3A_88 = tpu.memref_squeeze %dma_start3A_87 : memref<1x128xi32, #tpu.memory_space<vmem>> -> memref<128xi32, #tpu.memory_space<vmem>>
          %dma_start3A_89 = arith.constant 0 : i32
          %dma_start3A_90 = tpu.memref_slice %arg8[%dma_start3A_89] : memref<1955840xf32, #tpu.memory_space<vmem_shared>> -> memref<1955840xf32, #tpu.memory_space<vmem_shared>>
          %dma_start3A_91 = arith.constant -1 : i32
          tpu.enqueue_indirect_dma source(%dma_start3A_85 : memref<128xf32, #tpu.memory_space<vmem>>) target(%dma_start3A_90 : memref<1955840xf32, #tpu.memory_space<vmem_shared>>) offsets(%dma_start3A_88 : memref<128xi32, #tpu.memory_space<vmem>>) offset_filter(%dma_start3A_91) semaphore(%arg12 : memref<!tpu.dma_semaphore, #tpu.memory_space<semaphore_mem>>) {add = true}
          %dma_start3A_92 = arith.constant 3 : i32
          %dma_start3A_93 = arith.constant 384 : i32
          %dma_start3A_94 = tpu.memref_slice %run_scoped3A_1[%dma_start3A_93] : memref<2048xf32, #tpu.memory_space<vmem>> -> memref<128xf32, #tpu.memory_space<vmem>>
          %dma_start3A_95 = arith.constant 0 : i32
          %dma_start3A_96 = tpu.memref_slice %run_scoped3A_2[%dma_start3A_92, %dma_start3A_95] : memref<16x128xi32, #tpu.memory_space<vmem>> -> memref<1x128xi32, #tpu.memory_space<vmem>>
          %dma_start3A_97 = tpu.memref_squeeze %dma_start3A_96 : memref<1x128xi32, #tpu.memory_space<vmem>> -> memref<128xi32, #tpu.memory_space<vmem>>
          %dma_start3A_98 = arith.constant 0 : i32
          %dma_start3A_99 = tpu.memref_slice %arg8[%dma_start3A_98] : memref<1955840xf32, #tpu.memory_space<vmem_shared>> -> memref<1955840xf32, #tpu.memory_space<vmem_shared>>
          %dma_start3A_100 = arith.constant -1 : i32
          tpu.enqueue_indirect_dma source(%dma_start3A_94 : memref<128xf32, #tpu.memory_space<vmem>>) target(%dma_start3A_99 : memref<1955840xf32, #tpu.memory_space<vmem_shared>>) offsets(%dma_start3A_97 : memref<128xi32, #tpu.memory_space<vmem>>) offset_filter(%dma_start3A_100) semaphore(%arg12 : memref<!tpu.dma_semaphore, #tpu.memory_space<semaphore_mem>>) {add = true}
          %dma_start3A_101 = arith.constant 4 : i32
          %dma_start3A_102 = arith.constant 512 : i32
          %dma_start3A_103 = tpu.memref_slice %run_scoped3A_1[%dma_start3A_102] : memref<2048xf32, #tpu.memory_space<vmem>> -> memref<128xf32, #tpu.memory_space<vmem>>
          %dma_start3A_104 = arith.constant 0 : i32
          %dma_start3A_105 = tpu.memref_slice %run_scoped3A_2[%dma_start3A_101, %dma_start3A_104] : memref<16x128xi32, #tpu.memory_space<vmem>> -> memref<1x128xi32, #tpu.memory_space<vmem>>
          %dma_start3A_106 = tpu.memref_squeeze %dma_start3A_105 : memref<1x128xi32, #tpu.memory_space<vmem>> -> memref<128xi32, #tpu.memory_space<vmem>>
          %dma_start3A_107 = arith.constant 0 : i32
          %dma_start3A_108 = tpu.memref_slice %arg8[%dma_start3A_107] : memref<1955840xf32, #tpu.memory_space<vmem_shared>> -> memref<1955840xf32, #tpu.memory_space<vmem_shared>>
          %dma_start3A_109 = arith.constant -1 : i32
          tpu.enqueue_indirect_dma source(%dma_start3A_103 : memref<128xf32, #tpu.memory_space<vmem>>) target(%dma_start3A_108 : memref<1955840xf32, #tpu.memory_space<vmem_shared>>) offsets(%dma_start3A_106 : memref<128xi32, #tpu.memory_space<vmem>>) offset_filter(%dma_start3A_109) semaphore(%arg12 : memref<!tpu.dma_semaphore, #tpu.memory_space<semaphore_mem>>) {add = true}
          %dma_start3A_110 = arith.constant 5 : i32
          %dma_start3A_111 = arith.constant 640 : i32
          %dma_start3A_112 = tpu.memref_slice %run_scoped3A_1[%dma_start3A_111] : memref<2048xf32, #tpu.memory_space<vmem>> -> memref<128xf32, #tpu.memory_space<vmem>>
          %dma_start3A_113 = arith.constant 0 : i32
          %dma_start3A_114 = tpu.memref_slice %run_scoped3A_2[%dma_start3A_110, %dma_start3A_113] : memref<16x128xi32, #tpu.memory_space<vmem>> -> memref<1x128xi32, #tpu.memory_space<vmem>>
          %dma_start3A_115 = tpu.memref_squeeze %dma_start3A_114 : memref<1x128xi32, #tpu.memory_space<vmem>> -> memref<128xi32, #tpu.memory_space<vmem>>
          %dma_start3A_116 = arith.constant 0 : i32
          %dma_start3A_117 = tpu.memref_slice %arg8[%dma_start3A_116] : memref<1955840xf32, #tpu.memory_space<vmem_shared>> -> memref<1955840xf32, #tpu.memory_space<vmem_shared>>
          %dma_start3A_118 = arith.constant -1 : i32
          tpu.enqueue_indirect_dma source(%dma_start3A_112 : memref<128xf32, #tpu.memory_space<vmem>>) target(%dma_start3A_117 : memref<1955840xf32, #tpu.memory_space<vmem_shared>>) offsets(%dma_start3A_115 : memref<128xi32, #tpu.memory_space<vmem>>) offset_filter(%dma_start3A_118) semaphore(%arg12 : memref<!tpu.dma_semaphore, #tpu.memory_space<semaphore_mem>>) {add = true}
          %dma_start3A_119 = arith.constant 6 : i32
          %dma_start3A_120 = arith.constant 768 : i32
          %dma_start3A_121 = tpu.memref_slice %run_scoped3A_1[%dma_start3A_120] : memref<2048xf32, #tpu.memory_space<vmem>> -> memref<128xf32, #tpu.memory_space<vmem>>
          %dma_start3A_122 = arith.constant 0 : i32
          %dma_start3A_123 = tpu.memref_slice %run_scoped3A_2[%dma_start3A_119, %dma_start3A_122] : memref<16x128xi32, #tpu.memory_space<vmem>> -> memref<1x128xi32, #tpu.memory_space<vmem>>
          %dma_start3A_124 = tpu.memref_squeeze %dma_start3A_123 : memref<1x128xi32, #tpu.memory_space<vmem>> -> memref<128xi32, #tpu.memory_space<vmem>>
          %dma_start3A_125 = arith.constant 0 : i32
          %dma_start3A_126 = tpu.memref_slice %arg8[%dma_start3A_125] : memref<1955840xf32, #tpu.memory_space<vmem_shared>> -> memref<1955840xf32, #tpu.memory_space<vmem_shared>>
          %dma_start3A_127 = arith.constant -1 : i32
          tpu.enqueue_indirect_dma source(%dma_start3A_121 : memref<128xf32, #tpu.memory_space<vmem>>) target(%dma_start3A_126 : memref<1955840xf32, #tpu.memory_space<vmem_shared>>) offsets(%dma_start3A_124 : memref<128xi32, #tpu.memory_space<vmem>>) offset_filter(%dma_start3A_127) semaphore(%arg12 : memref<!tpu.dma_semaphore, #tpu.memory_space<semaphore_mem>>) {add = true}
          %dma_start3A_128 = arith.constant 7 : i32
          %dma_start3A_129 = arith.constant 896 : i32
          %dma_start3A_130 = tpu.memref_slice %run_scoped3A_1[%dma_start3A_129] : memref<2048xf32, #tpu.memory_space<vmem>> -> memref<128xf32, #tpu.memory_space<vmem>>
          %dma_start3A_131 = arith.constant 0 : i32
          %dma_start3A_132 = tpu.memref_slice %run_scoped3A_2[%dma_start3A_128, %dma_start3A_131] : memref<16x128xi32, #tpu.memory_space<vmem>> -> memref<1x128xi32, #tpu.memory_space<vmem>>
          %dma_start3A_133 = tpu.memref_squeeze %dma_start3A_132 : memref<1x128xi32, #tpu.memory_space<vmem>> -> memref<128xi32, #tpu.memory_space<vmem>>
          %dma_start3A_134 = arith.constant 0 : i32
          %dma_start3A_135 = tpu.memref_slice %arg8[%dma_start3A_134] : memref<1955840xf32, #tpu.memory_space<vmem_shared>> -> memref<1955840xf32, #tpu.memory_space<vmem_shared>>
          %dma_start3A_136 = arith.constant -1 : i32
          tpu.enqueue_indirect_dma source(%dma_start3A_130 : memref<128xf32, #tpu.memory_space<vmem>>) target(%dma_start3A_135 : memref<1955840xf32, #tpu.memory_space<vmem_shared>>) offsets(%dma_start3A_133 : memref<128xi32, #tpu.memory_space<vmem>>) offset_filter(%dma_start3A_136) semaphore(%arg12 : memref<!tpu.dma_semaphore, #tpu.memory_space<semaphore_mem>>) {add = true}
          %dma_start3A_137 = arith.constant 8 : i32
          %dma_start3A_138 = arith.constant 1024 : i32
          %dma_start3A_139 = tpu.memref_slice %run_scoped3A_1[%dma_start3A_138] : memref<2048xf32, #tpu.memory_space<vmem>> -> memref<128xf32, #tpu.memory_space<vmem>>
          %dma_start3A_140 = arith.constant 0 : i32
          %dma_start3A_141 = tpu.memref_slice %run_scoped3A_2[%dma_start3A_137, %dma_start3A_140] : memref<16x128xi32, #tpu.memory_space<vmem>> -> memref<1x128xi32, #tpu.memory_space<vmem>>
          %dma_start3A_142 = tpu.memref_squeeze %dma_start3A_141 : memref<1x128xi32, #tpu.memory_space<vmem>> -> memref<128xi32, #tpu.memory_space<vmem>>
          %dma_start3A_143 = arith.constant 0 : i32
          %dma_start3A_144 = tpu.memref_slice %arg8[%dma_start3A_143] : memref<1955840xf32, #tpu.memory_space<vmem_shared>> -> memref<1955840xf32, #tpu.memory_space<vmem_shared>>
          %dma_start3A_145 = arith.constant -1 : i32
          tpu.enqueue_indirect_dma source(%dma_start3A_139 : memref<128xf32, #tpu.memory_space<vmem>>) target(%dma_start3A_144 : memref<1955840xf32, #tpu.memory_space<vmem_shared>>) offsets(%dma_start3A_142 : memref<128xi32, #tpu.memory_space<vmem>>) offset_filter(%dma_start3A_145) semaphore(%arg12 : memref<!tpu.dma_semaphore, #tpu.memory_space<semaphore_mem>>) {add = true}
          %dma_start3A_146 = arith.constant 9 : i32
          %dma_start3A_147 = arith.constant 1152 : i32
          %dma_start3A_148 = tpu.memref_slice %run_scoped3A_1[%dma_start3A_147] : memref<2048xf32, #tpu.memory_space<vmem>> -> memref<128xf32, #tpu.memory_space<vmem>>
          %dma_start3A_149 = arith.constant 0 : i32
          %dma_start3A_150 = tpu.memref_slice %run_scoped3A_2[%dma_start3A_146, %dma_start3A_149] : memref<16x128xi32, #tpu.memory_space<vmem>> -> memref<1x128xi32, #tpu.memory_space<vmem>>
          %dma_start3A_151 = tpu.memref_squeeze %dma_start3A_150 : memref<1x128xi32, #tpu.memory_space<vmem>> -> memref<128xi32, #tpu.memory_space<vmem>>
          %dma_start3A_152 = arith.constant 0 : i32
          %dma_start3A_153 = tpu.memref_slice %arg8[%dma_start3A_152] : memref<1955840xf32, #tpu.memory_space<vmem_shared>> -> memref<1955840xf32, #tpu.memory_space<vmem_shared>>
          %dma_start3A_154 = arith.constant -1 : i32
          tpu.enqueue_indirect_dma source(%dma_start3A_148 : memref<128xf32, #tpu.memory_space<vmem>>) target(%dma_start3A_153 : memref<1955840xf32, #tpu.memory_space<vmem_shared>>) offsets(%dma_start3A_151 : memref<128xi32, #tpu.memory_space<vmem>>) offset_filter(%dma_start3A_154) semaphore(%arg12 : memref<!tpu.dma_semaphore, #tpu.memory_space<semaphore_mem>>) {add = true}
          %dma_start3A_155 = arith.constant 10 : i32
          %dma_start3A_156 = arith.constant 1280 : i32
          %dma_start3A_157 = tpu.memref_slice %run_scoped3A_1[%dma_start3A_156] : memref<2048xf32, #tpu.memory_space<vmem>> -> memref<128xf32, #tpu.memory_space<vmem>>
          %dma_start3A_158 = arith.constant 0 : i32
          %dma_start3A_159 = tpu.memref_slice %run_scoped3A_2[%dma_start3A_155, %dma_start3A_158] : memref<16x128xi32, #tpu.memory_space<vmem>> -> memref<1x128xi32, #tpu.memory_space<vmem>>
          %dma_start3A_160 = tpu.memref_squeeze %dma_start3A_159 : memref<1x128xi32, #tpu.memory_space<vmem>> -> memref<128xi32, #tpu.memory_space<vmem>>
          %dma_start3A_161 = arith.constant 0 : i32
          %dma_start3A_162 = tpu.memref_slice %arg8[%dma_start3A_161] : memref<1955840xf32, #tpu.memory_space<vmem_shared>> -> memref<1955840xf32, #tpu.memory_space<vmem_shared>>
          %dma_start3A_163 = arith.constant -1 : i32
          tpu.enqueue_indirect_dma source(%dma_start3A_157 : memref<128xf32, #tpu.memory_space<vmem>>) target(%dma_start3A_162 : memref<1955840xf32, #tpu.memory_space<vmem_shared>>) offsets(%dma_start3A_160 : memref<128xi32, #tpu.memory_space<vmem>>) offset_filter(%dma_start3A_163) semaphore(%arg12 : memref<!tpu.dma_semaphore, #tpu.memory_space<semaphore_mem>>) {add = true}
          %dma_start3A_164 = arith.constant 11 : i32
          %dma_start3A_165 = arith.constant 1408 : i32
          %dma_start3A_166 = tpu.memref_slice %run_scoped3A_1[%dma_start3A_165] : memref<2048xf32, #tpu.memory_space<vmem>> -> memref<128xf32, #tpu.memory_space<vmem>>
          %dma_start3A_167 = arith.constant 0 : i32
          %dma_start3A_168 = tpu.memref_slice %run_scoped3A_2[%dma_start3A_164, %dma_start3A_167] : memref<16x128xi32, #tpu.memory_space<vmem>> -> memref<1x128xi32, #tpu.memory_space<vmem>>
          %dma_start3A_169 = tpu.memref_squeeze %dma_start3A_168 : memref<1x128xi32, #tpu.memory_space<vmem>> -> memref<128xi32, #tpu.memory_space<vmem>>
          %dma_start3A_170 = arith.constant 0 : i32
          %dma_start3A_171 = tpu.memref_slice %arg8[%dma_start3A_170] : memref<1955840xf32, #tpu.memory_space<vmem_shared>> -> memref<1955840xf32, #tpu.memory_space<vmem_shared>>
          %dma_start3A_172 = arith.constant -1 : i32
          tpu.enqueue_indirect_dma source(%dma_start3A_166 : memref<128xf32, #tpu.memory_space<vmem>>) target(%dma_start3A_171 : memref<1955840xf32, #tpu.memory_space<vmem_shared>>) offsets(%dma_start3A_169 : memref<128xi32, #tpu.memory_space<vmem>>) offset_filter(%dma_start3A_172) semaphore(%arg12 : memref<!tpu.dma_semaphore, #tpu.memory_space<semaphore_mem>>) {add = true}
          %dma_start3A_173 = arith.constant 12 : i32
          %dma_start3A_174 = arith.constant 1536 : i32
          %dma_start3A_175 = tpu.memref_slice %run_scoped3A_1[%dma_start3A_174] : memref<2048xf32, #tpu.memory_space<vmem>> -> memref<128xf32, #tpu.memory_space<vmem>>
          %dma_start3A_176 = arith.constant 0 : i32
          %dma_start3A_177 = tpu.memref_slice %run_scoped3A_2[%dma_start3A_173, %dma_start3A_176] : memref<16x128xi32, #tpu.memory_space<vmem>> -> memref<1x128xi32, #tpu.memory_space<vmem>>
          %dma_start3A_178 = tpu.memref_squeeze %dma_start3A_177 : memref<1x128xi32, #tpu.memory_space<vmem>> -> memref<128xi32, #tpu.memory_space<vmem>>
          %dma_start3A_179 = arith.constant 0 : i32
          %dma_start3A_180 = tpu.memref_slice %arg8[%dma_start3A_179] : memref<1955840xf32, #tpu.memory_space<vmem_shared>> -> memref<1955840xf32, #tpu.memory_space<vmem_shared>>
          %dma_start3A_181 = arith.constant -1 : i32
          tpu.enqueue_indirect_dma source(%dma_start3A_175 : memref<128xf32, #tpu.memory_space<vmem>>) target(%dma_start3A_180 : memref<1955840xf32, #tpu.memory_space<vmem_shared>>) offsets(%dma_start3A_178 : memref<128xi32, #tpu.memory_space<vmem>>) offset_filter(%dma_start3A_181) semaphore(%arg12 : memref<!tpu.dma_semaphore, #tpu.memory_space<semaphore_mem>>) {add = true}
          %dma_start3A_182 = arith.constant 13 : i32
          %dma_start3A_183 = arith.constant 1664 : i32
          %dma_start3A_184 = tpu.memref_slice %run_scoped3A_1[%dma_start3A_183] : memref<2048xf32, #tpu.memory_space<vmem>> -> memref<128xf32, #tpu.memory_space<vmem>>
          %dma_start3A_185 = arith.constant 0 : i32
          %dma_start3A_186 = tpu.memref_slice %run_scoped3A_2[%dma_start3A_182, %dma_start3A_185] : memref<16x128xi32, #tpu.memory_space<vmem>> -> memref<1x128xi32, #tpu.memory_space<vmem>>
          %dma_start3A_187 = tpu.memref_squeeze %dma_start3A_186 : memref<1x128xi32, #tpu.memory_space<vmem>> -> memref<128xi32, #tpu.memory_space<vmem>>
          %dma_start3A_188 = arith.constant 0 : i32
          %dma_start3A_189 = tpu.memref_slice %arg8[%dma_start3A_188] : memref<1955840xf32, #tpu.memory_space<vmem_shared>> -> memref<1955840xf32, #tpu.memory_space<vmem_shared>>
          %dma_start3A_190 = arith.constant -1 : i32
          tpu.enqueue_indirect_dma source(%dma_start3A_184 : memref<128xf32, #tpu.memory_space<vmem>>) target(%dma_start3A_189 : memref<1955840xf32, #tpu.memory_space<vmem_shared>>) offsets(%dma_start3A_187 : memref<128xi32, #tpu.memory_space<vmem>>) offset_filter(%dma_start3A_190) semaphore(%arg12 : memref<!tpu.dma_semaphore, #tpu.memory_space<semaphore_mem>>) {add = true}
          %dma_start3A_191 = arith.constant 14 : i32
          %dma_start3A_192 = arith.constant 1792 : i32
          %dma_start3A_193 = tpu.memref_slice %run_scoped3A_1[%dma_start3A_192] : memref<2048xf32, #tpu.memory_space<vmem>> -> memref<128xf32, #tpu.memory_space<vmem>>
          %dma_start3A_194 = arith.constant 0 : i32
          %dma_start3A_195 = tpu.memref_slice %run_scoped3A_2[%dma_start3A_191, %dma_start3A_194] : memref<16x128xi32, #tpu.memory_space<vmem>> -> memref<1x128xi32, #tpu.memory_space<vmem>>
          %dma_start3A_196 = tpu.memref_squeeze %dma_start3A_195 : memref<1x128xi32, #tpu.memory_space<vmem>> -> memref<128xi32, #tpu.memory_space<vmem>>
          %dma_start3A_197 = arith.constant 0 : i32
          %dma_start3A_198 = tpu.memref_slice %arg8[%dma_start3A_197] : memref<1955840xf32, #tpu.memory_space<vmem_shared>> -> memref<1955840xf32, #tpu.memory_space<vmem_shared>>
          %dma_start3A_199 = arith.constant -1 : i32
          tpu.enqueue_indirect_dma source(%dma_start3A_193 : memref<128xf32, #tpu.memory_space<vmem>>) target(%dma_start3A_198 : memref<1955840xf32, #tpu.memory_space<vmem_shared>>) offsets(%dma_start3A_196 : memref<128xi32, #tpu.memory_space<vmem>>) offset_filter(%dma_start3A_199) semaphore(%arg12 : memref<!tpu.dma_semaphore, #tpu.memory_space<semaphore_mem>>) {add = true}
          %dma_start3A_200 = arith.constant 15 : i32
          %dma_start3A_201 = arith.constant 1920 : i32
          %dma_start3A_202 = tpu.memref_slice %run_scoped3A_1[%dma_start3A_201] : memref<2048xf32, #tpu.memory_space<vmem>> -> memref<128xf32, #tpu.memory_space<vmem>>
          %dma_start3A_203 = arith.constant 0 : i32
          %dma_start3A_204 = tpu.memref_slice %run_scoped3A_2[%dma_start3A_200, %dma_start3A_203] : memref<16x128xi32, #tpu.memory_space<vmem>> -> memref<1x128xi32, #tpu.memory_space<vmem>>
          %dma_start3A_205 = tpu.memref_squeeze %dma_start3A_204 : memref<1x128xi32, #tpu.memory_space<vmem>> -> memref<128xi32, #tpu.memory_space<vmem>>
          %dma_start3A_206 = arith.constant 0 : i32
          %dma_start3A_207 = tpu.memref_slice %arg8[%dma_start3A_206] : memref<1955840xf32, #tpu.memory_space<vmem_shared>> -> memref<1955840xf32, #tpu.memory_space<vmem_shared>>
          %dma_start3A_208 = arith.constant -1 : i32
          tpu.enqueue_indirect_dma source(%dma_start3A_202 : memref<128xf32, #tpu.memory_space<vmem>>) target(%dma_start3A_207 : memref<1955840xf32, #tpu.memory_space<vmem_shared>>) offsets(%dma_start3A_205 : memref<128xi32, #tpu.memory_space<vmem>>) offset_filter(%dma_start3A_208) semaphore(%arg12 : memref<!tpu.dma_semaphore, #tpu.memory_space<semaphore_mem>>) {add = true}
          %add3A_209 = arith.constant 1 : i32
          %add3A_210 = arith.addi %scan3A_48, %add3A_209 : i32
          %mul3A_211 = arith.constant 16 : i32
          %mul3A_212 = arith.muli %add3A_210, %mul3A_211 : i32
          %add3A_213 = arith.addi %arg1, %mul3A_212 : i32
          %lt3A_214 = arith.constant 1101 : i32
          %lt3A_215 = arith.cmpi slt, %add3A_213, %lt3A_214 : i32
          %convert_element_type3A_216 = arith.extui %lt3A_215 : i1 to i32
          %cond3A_217 = arith.constant 0 : i32
          %cond3A_218 = arith.cmpi ne, %convert_element_type3A_216, %cond3A_217 : i32
          scf.if %cond3A_218 {
            %eq3A = arith.constant 1100 : i32
            %eq3A_356 = arith.cmpi eq, %add3A_213, %eq3A : i32
            %convert_element_type3A_357 = arith.extui %eq3A_356 : i1 to i32
            %cond3A_358 = arith.constant 0 : i32
            %cond3A_359 = arith.cmpi ne, %convert_element_type3A_357, %cond3A_358 : i32
            scf.if %cond3A_359 {
              tpu.enqueue_dma source(%arg4 : memref<2x2048xi32, #tpu.memory_space<hbm>>) target(%run_scoped3A : memref<2x2048xi32, #tpu.memory_space<vmem>>) target_semaphore(%arg10 : memref<!tpu.dma_semaphore, #tpu.memory_space<semaphore_mem>>)
            } else {
            }
            %lt3A_360 = arith.constant 1100 : i32
            %lt3A_361 = arith.cmpi slt, %add3A_213, %lt3A_360 : i32
            %convert_element_type3A_362 = arith.extui %lt3A_361 : i1 to i32
            %cond3A_363 = arith.constant 0 : i32
            %cond3A_364 = arith.cmpi ne, %convert_element_type3A_362, %cond3A_363 : i32
            scf.if %cond3A_364 {
              %mul3A_365 = arith.constant 2048 : i32
              %mul3A_366 = arith.muli %add3A_213, %mul3A_365 : i32
              %dma_start3A_367 = arith.constant 0 : i32
              %dma_start3A_368 = tpu.memref_slice %arg2[%dma_start3A_367, %mul3A_366] : memref<2x2254649xi32, #tpu.memory_space<hbm>> -> memref<2x2048xi32, #tpu.memory_space<hbm>>
              %dma_start3A_369 = arith.constant 0 : i32
              %dma_start3A_370 = tpu.memref_slice %arg2[%dma_start3A_369, %mul3A_366] : memref<2x2254649xi32, #tpu.memory_space<hbm>> -> memref<2x2048xi32, #tpu.memory_space<hbm>>
              tpu.enqueue_dma source(%dma_start3A_370 : memref<2x2048xi32, #tpu.memory_space<hbm>>) target(%run_scoped3A : memref<2x2048xi32, #tpu.memory_space<vmem>>) target_semaphore(%arg10 : memref<!tpu.dma_semaphore, #tpu.memory_space<semaphore_mem>>)
            } else {
            }
          } else {
          }
          %dma_wait3A = arith.constant 0 : i32
          %dma_wait3A_219 = arith.constant 0 : i32
          %dma_wait3A_220 = tpu.memref_slice %run_scoped3A_1[%dma_wait3A_219] : memref<2048xf32, #tpu.memory_space<vmem>> -> memref<128xf32, #tpu.memory_space<vmem>>
          %dma_wait3A_221 = arith.constant 0 : i32
          %dma_wait3A_222 = tpu.memref_slice %run_scoped3A_2[%dma_wait3A, %dma_wait3A_221] : memref<16x128xi32, #tpu.memory_space<vmem>> -> memref<1x128xi32, #tpu.memory_space<vmem>>
          %dma_wait3A_223 = tpu.memref_squeeze %dma_wait3A_222 : memref<1x128xi32, #tpu.memory_space<vmem>> -> memref<128xi32, #tpu.memory_space<vmem>>
          %dma_wait3A_224 = arith.constant 0 : i32
          %dma_wait3A_225 = tpu.memref_slice %arg8[%dma_wait3A_224] : memref<1955840xf32, #tpu.memory_space<vmem_shared>> -> memref<1955840xf32, #tpu.memory_space<vmem_shared>>
          tpu.wait_indirect_dma semaphore(%arg12 : memref<!tpu.dma_semaphore, #tpu.memory_space<semaphore_mem>>) src(%dma_wait3A_220 : memref<128xf32, #tpu.memory_space<vmem>>) dst(%dma_wait3A_225 : memref<1955840xf32, #tpu.memory_space<vmem_shared>>)
          %dma_wait3A_226 = arith.constant 1 : i32
          %dma_wait3A_227 = arith.constant 128 : i32
          %dma_wait3A_228 = tpu.memref_slice %run_scoped3A_1[%dma_wait3A_227] : memref<2048xf32, #tpu.memory_space<vmem>> -> memref<128xf32, #tpu.memory_space<vmem>>
          %dma_wait3A_229 = arith.constant 0 : i32
          %dma_wait3A_230 = tpu.memref_slice %run_scoped3A_2[%dma_wait3A_226, %dma_wait3A_229] : memref<16x128xi32, #tpu.memory_space<vmem>> -> memref<1x128xi32, #tpu.memory_space<vmem>>
          %dma_wait3A_231 = tpu.memref_squeeze %dma_wait3A_230 : memref<1x128xi32, #tpu.memory_space<vmem>> -> memref<128xi32, #tpu.memory_space<vmem>>
          %dma_wait3A_232 = arith.constant 0 : i32
          %dma_wait3A_233 = tpu.memref_slice %arg8[%dma_wait3A_232] : memref<1955840xf32, #tpu.memory_space<vmem_shared>> -> memref<1955840xf32, #tpu.memory_space<vmem_shared>>
          tpu.wait_indirect_dma semaphore(%arg12 : memref<!tpu.dma_semaphore, #tpu.memory_space<semaphore_mem>>) src(%dma_wait3A_228 : memref<128xf32, #tpu.memory_space<vmem>>) dst(%dma_wait3A_233 : memref<1955840xf32, #tpu.memory_space<vmem_shared>>)
          %dma_wait3A_234 = arith.constant 2 : i32
          %dma_wait3A_235 = arith.constant 256 : i32
          %dma_wait3A_236 = tpu.memref_slice %run_scoped3A_1[%dma_wait3A_235] : memref<2048xf32, #tpu.memory_space<vmem>> -> memref<128xf32, #tpu.memory_space<vmem>>
          %dma_wait3A_237 = arith.constant 0 : i32
          %dma_wait3A_238 = tpu.memref_slice %run_scoped3A_2[%dma_wait3A_234, %dma_wait3A_237] : memref<16x128xi32, #tpu.memory_space<vmem>> -> memref<1x128xi32, #tpu.memory_space<vmem>>
          %dma_wait3A_239 = tpu.memref_squeeze %dma_wait3A_238 : memref<1x128xi32, #tpu.memory_space<vmem>> -> memref<128xi32, #tpu.memory_space<vmem>>
          %dma_wait3A_240 = arith.constant 0 : i32
          %dma_wait3A_241 = tpu.memref_slice %arg8[%dma_wait3A_240] : memref<1955840xf32, #tpu.memory_space<vmem_shared>> -> memref<1955840xf32, #tpu.memory_space<vmem_shared>>
          tpu.wait_indirect_dma semaphore(%arg12 : memref<!tpu.dma_semaphore, #tpu.memory_space<semaphore_mem>>) src(%dma_wait3A_236 : memref<128xf32, #tpu.memory_space<vmem>>) dst(%dma_wait3A_241 : memref<1955840xf32, #tpu.memory_space<vmem_shared>>)
          %dma_wait3A_242 = arith.constant 3 : i32
          %dma_wait3A_243 = arith.constant 384 : i32
          %dma_wait3A_244 = tpu.memref_slice %run_scoped3A_1[%dma_wait3A_243] : memref<2048xf32, #tpu.memory_space<vmem>> -> memref<128xf32, #tpu.memory_space<vmem>>
          %dma_wait3A_245 = arith.constant 0 : i32
          %dma_wait3A_246 = tpu.memref_slice %run_scoped3A_2[%dma_wait3A_242, %dma_wait3A_245] : memref<16x128xi32, #tpu.memory_space<vmem>> -> memref<1x128xi32, #tpu.memory_space<vmem>>
          %dma_wait3A_247 = tpu.memref_squeeze %dma_wait3A_246 : memref<1x128xi32, #tpu.memory_space<vmem>> -> memref<128xi32, #tpu.memory_space<vmem>>
          %dma_wait3A_248 = arith.constant 0 : i32
          %dma_wait3A_249 = tpu.memref_slice %arg8[%dma_wait3A_248] : memref<1955840xf32, #tpu.memory_space<vmem_shared>> -> memref<1955840xf32, #tpu.memory_space<vmem_shared>>
          tpu.wait_indirect_dma semaphore(%arg12 : memref<!tpu.dma_semaphore, #tpu.memory_space<semaphore_mem>>) src(%dma_wait3A_244 : memref<128xf32, #tpu.memory_space<vmem>>) dst(%dma_wait3A_249 : memref<1955840xf32, #tpu.memory_space<vmem_shared>>)
          %dma_wait3A_250 = arith.constant 4 : i32
          %dma_wait3A_251 = arith.constant 512 : i32
          %dma_wait3A_252 = tpu.memref_slice %run_scoped3A_1[%dma_wait3A_251] : memref<2048xf32, #tpu.memory_space<vmem>> -> memref<128xf32, #tpu.memory_space<vmem>>
          %dma_wait3A_253 = arith.constant 0 : i32
          %dma_wait3A_254 = tpu.memref_slice %run_scoped3A_2[%dma_wait3A_250, %dma_wait3A_253] : memref<16x128xi32, #tpu.memory_space<vmem>> -> memref<1x128xi32, #tpu.memory_space<vmem>>
          %dma_wait3A_255 = tpu.memref_squeeze %dma_wait3A_254 : memref<1x128xi32, #tpu.memory_space<vmem>> -> memref<128xi32, #tpu.memory_space<vmem>>
          %dma_wait3A_256 = arith.constant 0 : i32
          %dma_wait3A_257 = tpu.memref_slice %arg8[%dma_wait3A_256] : memref<1955840xf32, #tpu.memory_space<vmem_shared>> -> memref<1955840xf32, #tpu.memory_space<vmem_shared>>
          tpu.wait_indirect_dma semaphore(%arg12 : memref<!tpu.dma_semaphore, #tpu.memory_space<semaphore_mem>>) src(%dma_wait3A_252 : memref<128xf32, #tpu.memory_space<vmem>>) dst(%dma_wait3A_257 : memref<1955840xf32, #tpu.memory_space<vmem_shared>>)
          %dma_wait3A_258 = arith.constant 5 : i32
          %dma_wait3A_259 = arith.constant 640 : i32
          %dma_wait3A_260 = tpu.memref_slice %run_scoped3A_1[%dma_wait3A_259] : memref<2048xf32, #tpu.memory_space<vmem>> -> memref<128xf32, #tpu.memory_space<vmem>>
          %dma_wait3A_261 = arith.constant 0 : i32
          %dma_wait3A_262 = tpu.memref_slice %run_scoped3A_2[%dma_wait3A_258, %dma_wait3A_261] : memref<16x128xi32, #tpu.memory_space<vmem>> -> memref<1x128xi32, #tpu.memory_space<vmem>>
          %dma_wait3A_263 = tpu.memref_squeeze %dma_wait3A_262 : memref<1x128xi32, #tpu.memory_space<vmem>> -> memref<128xi32, #tpu.memory_space<vmem>>
          %dma_wait3A_264 = arith.constant 0 : i32
          %dma_wait3A_265 = tpu.memref_slice %arg8[%dma_wait3A_264] : memref<1955840xf32, #tpu.memory_space<vmem_shared>> -> memref<1955840xf32, #tpu.memory_space<vmem_shared>>
          tpu.wait_indirect_dma semaphore(%arg12 : memref<!tpu.dma_semaphore, #tpu.memory_space<semaphore_mem>>) src(%dma_wait3A_260 : memref<128xf32, #tpu.memory_space<vmem>>) dst(%dma_wait3A_265 : memref<1955840xf32, #tpu.memory_space<vmem_shared>>)
          %dma_wait3A_266 = arith.constant 6 : i32
          %dma_wait3A_267 = arith.constant 768 : i32
          %dma_wait3A_268 = tpu.memref_slice %run_scoped3A_1[%dma_wait3A_267] : memref<2048xf32, #tpu.memory_space<vmem>> -> memref<128xf32, #tpu.memory_space<vmem>>
          %dma_wait3A_269 = arith.constant 0 : i32
          %dma_wait3A_270 = tpu.memref_slice %run_scoped3A_2[%dma_wait3A_266, %dma_wait3A_269] : memref<16x128xi32, #tpu.memory_space<vmem>> -> memref<1x128xi32, #tpu.memory_space<vmem>>
          %dma_wait3A_271 = tpu.memref_squeeze %dma_wait3A_270 : memref<1x128xi32, #tpu.memory_space<vmem>> -> memref<128xi32, #tpu.memory_space<vmem>>
          %dma_wait3A_272 = arith.constant 0 : i32
          %dma_wait3A_273 = tpu.memref_slice %arg8[%dma_wait3A_272] : memref<1955840xf32, #tpu.memory_space<vmem_shared>> -> memref<1955840xf32, #tpu.memory_space<vmem_shared>>
          tpu.wait_indirect_dma semaphore(%arg12 : memref<!tpu.dma_semaphore, #tpu.memory_space<semaphore_mem>>) src(%dma_wait3A_268 : memref<128xf32, #tpu.memory_space<vmem>>) dst(%dma_wait3A_273 : memref<1955840xf32, #tpu.memory_space<vmem_shared>>)
          %dma_wait3A_274 = arith.constant 7 : i32
          %dma_wait3A_275 = arith.constant 896 : i32
          %dma_wait3A_276 = tpu.memref_slice %run_scoped3A_1[%dma_wait3A_275] : memref<2048xf32, #tpu.memory_space<vmem>> -> memref<128xf32, #tpu.memory_space<vmem>>
          %dma_wait3A_277 = arith.constant 0 : i32
          %dma_wait3A_278 = tpu.memref_slice %run_scoped3A_2[%dma_wait3A_274, %dma_wait3A_277] : memref<16x128xi32, #tpu.memory_space<vmem>> -> memref<1x128xi32, #tpu.memory_space<vmem>>
          %dma_wait3A_279 = tpu.memref_squeeze %dma_wait3A_278 : memref<1x128xi32, #tpu.memory_space<vmem>> -> memref<128xi32, #tpu.memory_space<vmem>>
          %dma_wait3A_280 = arith.constant 0 : i32
          %dma_wait3A_281 = tpu.memref_slice %arg8[%dma_wait3A_280] : memref<1955840xf32, #tpu.memory_space<vmem_shared>> -> memref<1955840xf32, #tpu.memory_space<vmem_shared>>
          tpu.wait_indirect_dma semaphore(%arg12 : memref<!tpu.dma_semaphore, #tpu.memory_space<semaphore_mem>>) src(%dma_wait3A_276 : memref<128xf32, #tpu.memory_space<vmem>>) dst(%dma_wait3A_281 : memref<1955840xf32, #tpu.memory_space<vmem_shared>>)
          %dma_wait3A_282 = arith.constant 8 : i32
          %dma_wait3A_283 = arith.constant 1024 : i32
          %dma_wait3A_284 = tpu.memref_slice %run_scoped3A_1[%dma_wait3A_283] : memref<2048xf32, #tpu.memory_space<vmem>> -> memref<128xf32, #tpu.memory_space<vmem>>
          %dma_wait3A_285 = arith.constant 0 : i32
          %dma_wait3A_286 = tpu.memref_slice %run_scoped3A_2[%dma_wait3A_282, %dma_wait3A_285] : memref<16x128xi32, #tpu.memory_space<vmem>> -> memref<1x128xi32, #tpu.memory_space<vmem>>
          %dma_wait3A_287 = tpu.memref_squeeze %dma_wait3A_286 : memref<1x128xi32, #tpu.memory_space<vmem>> -> memref<128xi32, #tpu.memory_space<vmem>>
          %dma_wait3A_288 = arith.constant 0 : i32
          %dma_wait3A_289 = tpu.memref_slice %arg8[%dma_wait3A_288] : memref<1955840xf32, #tpu.memory_space<vmem_shared>> -> memref<1955840xf32, #tpu.memory_space<vmem_shared>>
          tpu.wait_indirect_dma semaphore(%arg12 : memref<!tpu.dma_semaphore, #tpu.memory_space<semaphore_mem>>) src(%dma_wait3A_284 : memref<128xf32, #tpu.memory_space<vmem>>) dst(%dma_wait3A_289 : memref<1955840xf32, #tpu.memory_space<vmem_shared>>)
          %dma_wait3A_290 = arith.constant 9 : i32
          %dma_wait3A_291 = arith.constant 1152 : i32
          %dma_wait3A_292 = tpu.memref_slice %run_scoped3A_1[%dma_wait3A_291] : memref<2048xf32, #tpu.memory_space<vmem>> -> memref<128xf32, #tpu.memory_space<vmem>>
          %dma_wait3A_293 = arith.constant 0 : i32
          %dma_wait3A_294 = tpu.memref_slice %run_scoped3A_2[%dma_wait3A_290, %dma_wait3A_293] : memref<16x128xi32, #tpu.memory_space<vmem>> -> memref<1x128xi32, #tpu.memory_space<vmem>>
          %dma_wait3A_295 = tpu.memref_squeeze %dma_wait3A_294 : memref<1x128xi32, #tpu.memory_space<vmem>> -> memref<128xi32, #tpu.memory_space<vmem>>
          %dma_wait3A_296 = arith.constant 0 : i32
          %dma_wait3A_297 = tpu.memref_slice %arg8[%dma_wait3A_296] : memref<1955840xf32, #tpu.memory_space<vmem_shared>> -> memref<1955840xf32, #tpu.memory_space<vmem_shared>>
          tpu.wait_indirect_dma semaphore(%arg12 : memref<!tpu.dma_semaphore, #tpu.memory_space<semaphore_mem>>) src(%dma_wait3A_292 : memref<128xf32, #tpu.memory_space<vmem>>) dst(%dma_wait3A_297 : memref<1955840xf32, #tpu.memory_space<vmem_shared>>)
          %dma_wait3A_298 = arith.constant 10 : i32
          %dma_wait3A_299 = arith.constant 1280 : i32
          %dma_wait3A_300 = tpu.memref_slice %run_scoped3A_1[%dma_wait3A_299] : memref<2048xf32, #tpu.memory_space<vmem>> -> memref<128xf32, #tpu.memory_space<vmem>>
          %dma_wait3A_301 = arith.constant 0 : i32
          %dma_wait3A_302 = tpu.memref_slice %run_scoped3A_2[%dma_wait3A_298, %dma_wait3A_301] : memref<16x128xi32, #tpu.memory_space<vmem>> -> memref<1x128xi32, #tpu.memory_space<vmem>>
          %dma_wait3A_303 = tpu.memref_squeeze %dma_wait3A_302 : memref<1x128xi32, #tpu.memory_space<vmem>> -> memref<128xi32, #tpu.memory_space<vmem>>
          %dma_wait3A_304 = arith.constant 0 : i32
          %dma_wait3A_305 = tpu.memref_slice %arg8[%dma_wait3A_304] : memref<1955840xf32, #tpu.memory_space<vmem_shared>> -> memref<1955840xf32, #tpu.memory_space<vmem_shared>>
          tpu.wait_indirect_dma semaphore(%arg12 : memref<!tpu.dma_semaphore, #tpu.memory_space<semaphore_mem>>) src(%dma_wait3A_300 : memref<128xf32, #tpu.memory_space<vmem>>) dst(%dma_wait3A_305 : memref<1955840xf32, #tpu.memory_space<vmem_shared>>)
          %dma_wait3A_306 = arith.constant 11 : i32
          %dma_wait3A_307 = arith.constant 1408 : i32
          %dma_wait3A_308 = tpu.memref_slice %run_scoped3A_1[%dma_wait3A_307] : memref<2048xf32, #tpu.memory_space<vmem>> -> memref<128xf32, #tpu.memory_space<vmem>>
          %dma_wait3A_309 = arith.constant 0 : i32
          %dma_wait3A_310 = tpu.memref_slice %run_scoped3A_2[%dma_wait3A_306, %dma_wait3A_309] : memref<16x128xi32, #tpu.memory_space<vmem>> -> memref<1x128xi32, #tpu.memory_space<vmem>>
          %dma_wait3A_311 = tpu.memref_squeeze %dma_wait3A_310 : memref<1x128xi32, #tpu.memory_space<vmem>> -> memref<128xi32, #tpu.memory_space<vmem>>
          %dma_wait3A_312 = arith.constant 0 : i32
          %dma_wait3A_313 = tpu.memref_slice %arg8[%dma_wait3A_312] : memref<1955840xf32, #tpu.memory_space<vmem_shared>> -> memref<1955840xf32, #tpu.memory_space<vmem_shared>>
          tpu.wait_indirect_dma semaphore(%arg12 : memref<!tpu.dma_semaphore, #tpu.memory_space<semaphore_mem>>) src(%dma_wait3A_308 : memref<128xf32, #tpu.memory_space<vmem>>) dst(%dma_wait3A_313 : memref<1955840xf32, #tpu.memory_space<vmem_shared>>)
          %dma_wait3A_314 = arith.constant 12 : i32
          %dma_wait3A_315 = arith.constant 1536 : i32
          %dma_wait3A_316 = tpu.memref_slice %run_scoped3A_1[%dma_wait3A_315] : memref<2048xf32, #tpu.memory_space<vmem>> -> memref<128xf32, #tpu.memory_space<vmem>>
          %dma_wait3A_317 = arith.constant 0 : i32
          %dma_wait3A_318 = tpu.memref_slice %run_scoped3A_2[%dma_wait3A_314, %dma_wait3A_317] : memref<16x128xi32, #tpu.memory_space<vmem>> -> memref<1x128xi32, #tpu.memory_space<vmem>>
          %dma_wait3A_319 = tpu.memref_squeeze %dma_wait3A_318 : memref<1x128xi32, #tpu.memory_space<vmem>> -> memref<128xi32, #tpu.memory_space<vmem>>
          %dma_wait3A_320 = arith.constant 0 : i32
          %dma_wait3A_321 = tpu.memref_slice %arg8[%dma_wait3A_320] : memref<1955840xf32, #tpu.memory_space<vmem_shared>> -> memref<1955840xf32, #tpu.memory_space<vmem_shared>>
          tpu.wait_indirect_dma semaphore(%arg12 : memref<!tpu.dma_semaphore, #tpu.memory_space<semaphore_mem>>) src(%dma_wait3A_316 : memref<128xf32, #tpu.memory_space<vmem>>) dst(%dma_wait3A_321 : memref<1955840xf32, #tpu.memory_space<vmem_shared>>)
          %dma_wait3A_322 = arith.constant 13 : i32
          %dma_wait3A_323 = arith.constant 1664 : i32
          %dma_wait3A_324 = tpu.memref_slice %run_scoped3A_1[%dma_wait3A_323] : memref<2048xf32, #tpu.memory_space<vmem>> -> memref<128xf32, #tpu.memory_space<vmem>>
          %dma_wait3A_325 = arith.constant 0 : i32
          %dma_wait3A_326 = tpu.memref_slice %run_scoped3A_2[%dma_wait3A_322, %dma_wait3A_325] : memref<16x128xi32, #tpu.memory_space<vmem>> -> memref<1x128xi32, #tpu.memory_space<vmem>>
          %dma_wait3A_327 = tpu.memref_squeeze %dma_wait3A_326 : memref<1x128xi32, #tpu.memory_space<vmem>> -> memref<128xi32, #tpu.memory_space<vmem>>
          %dma_wait3A_328 = arith.constant 0 : i32
          %dma_wait3A_329 = tpu.memref_slice %arg8[%dma_wait3A_328] : memref<1955840xf32, #tpu.memory_space<vmem_shared>> -> memref<1955840xf32, #tpu.memory_space<vmem_shared>>
          tpu.wait_indirect_dma semaphore(%arg12 : memref<!tpu.dma_semaphore, #tpu.memory_space<semaphore_mem>>) src(%dma_wait3A_324 : memref<128xf32, #tpu.memory_space<vmem>>) dst(%dma_wait3A_329 : memref<1955840xf32, #tpu.memory_space<vmem_shared>>)
          %dma_wait3A_330 = arith.constant 14 : i32
          %dma_wait3A_331 = arith.constant 1792 : i32
          %dma_wait3A_332 = tpu.memref_slice %run_scoped3A_1[%dma_wait3A_331] : memref<2048xf32, #tpu.memory_space<vmem>> -> memref<128xf32, #tpu.memory_space<vmem>>
          %dma_wait3A_333 = arith.constant 0 : i32
          %dma_wait3A_334 = tpu.memref_slice %run_scoped3A_2[%dma_wait3A_330, %dma_wait3A_333] : memref<16x128xi32, #tpu.memory_space<vmem>> -> memref<1x128xi32, #tpu.memory_space<vmem>>
          %dma_wait3A_335 = tpu.memref_squeeze %dma_wait3A_334 : memref<1x128xi32, #tpu.memory_space<vmem>> -> memref<128xi32, #tpu.memory_space<vmem>>
          %dma_wait3A_336 = arith.constant 0 : i32
          %dma_wait3A_337 = tpu.memref_slice %arg8[%dma_wait3A_336] : memref<1955840xf32, #tpu.memory_space<vmem_shared>> -> memref<1955840xf32, #tpu.memory_space<vmem_shared>>
          tpu.wait_indirect_dma semaphore(%arg12 : memref<!tpu.dma_semaphore, #tpu.memory_space<semaphore_mem>>) src(%dma_wait3A_332 : memref<128xf32, #tpu.memory_space<vmem>>) dst(%dma_wait3A_337 : memref<1955840xf32, #tpu.memory_space<vmem_shared>>)
          %dma_wait3A_338 = arith.constant 15 : i32
          %dma_wait3A_339 = arith.constant 1920 : i32
          %dma_wait3A_340 = tpu.memref_slice %run_scoped3A_1[%dma_wait3A_339] : memref<2048xf32, #tpu.memory_space<vmem>> -> memref<128xf32, #tpu.memory_space<vmem>>
          %dma_wait3A_341 = arith.constant 0 : i32
          %dma_wait3A_342 = tpu.memref_slice %run_scoped3A_2[%dma_wait3A_338, %dma_wait3A_341] : memref<16x128xi32, #tpu.memory_space<vmem>> -> memref<1x128xi32, #tpu.memory_space<vmem>>
          %dma_wait3A_343 = tpu.memref_squeeze %dma_wait3A_342 : memref<1x128xi32, #tpu.memory_space<vmem>> -> memref<128xi32, #tpu.memory_space<vmem>>
          %dma_wait3A_344 = arith.constant 0 : i32
          %dma_wait3A_345 = tpu.memref_slice %arg8[%dma_wait3A_344] : memref<1955840xf32, #tpu.memory_space<vmem_shared>> -> memref<1955840xf32, #tpu.memory_space<vmem_shared>>
          tpu.wait_indirect_dma semaphore(%arg12 : memref<!tpu.dma_semaphore, #tpu.memory_space<semaphore_mem>>) src(%dma_wait3A_340 : memref<128xf32, #tpu.memory_space<vmem>>) dst(%dma_wait3A_345 : memref<1955840xf32, #tpu.memory_space<vmem_shared>>)
          %add3A_346 = arith.constant 1 : i32
          %add3A_347 = arith.addi %scan3A_48, %add3A_346 : i32
          %mul3A_348 = arith.constant 16 : i32
          %mul3A_349 = arith.muli %add3A_347, %mul3A_348 : i32
          %add3A_350 = arith.addi %arg1, %mul3A_349 : i32
          %lt3A_351 = arith.constant 1101 : i32
          %lt3A_352 = arith.cmpi slt, %add3A_350, %lt3A_351 : i32
          %convert_element_type3A_353 = arith.extui %lt3A_352 : i1 to i32
          %cond3A_354 = arith.constant 0 : i32
          %cond3A_355 = arith.cmpi ne, %convert_element_type3A_353, %cond3A_354 : i32
          scf.if %cond3A_355 {
            %eq3A = arith.constant 1100 : i32
            %eq3A_356 = arith.cmpi eq, %add3A_350, %eq3A : i32
            %convert_element_type3A_357 = arith.extui %eq3A_356 : i1 to i32
            %cond3A_358 = arith.constant 0 : i32
            %cond3A_359 = arith.cmpi ne, %convert_element_type3A_357, %cond3A_358 : i32
            scf.if %cond3A_359 {
              tpu.enqueue_dma source(%arg5 : memref<2048xf32, #tpu.memory_space<hbm>>) target(%run_scoped3A_1 : memref<2048xf32, #tpu.memory_space<vmem>>) target_semaphore(%arg11 : memref<!tpu.dma_semaphore, #tpu.memory_space<semaphore_mem>>)
            } else {
            }
            %lt3A_360 = arith.constant 1100 : i32
            %lt3A_361 = arith.cmpi slt, %add3A_350, %lt3A_360 : i32
            %convert_element_type3A_362 = arith.extui %lt3A_361 : i1 to i32
            %cond3A_363 = arith.constant 0 : i32
            %cond3A_364 = arith.cmpi ne, %convert_element_type3A_362, %cond3A_363 : i32
            scf.if %cond3A_364 {
              %mul3A_365 = arith.constant 2048 : i32
              %mul3A_366 = arith.muli %add3A_350, %mul3A_365 : i32
              %dma_start3A_367 = tpu.memref_slice %arg3[%mul3A_366] : memref<2254649xf32, #tpu.memory_space<hbm>> -> memref<2048xf32, #tpu.memory_space<hbm>>
              %dma_start3A_368 = tpu.memref_slice %arg3[%mul3A_366] : memref<2254649xf32, #tpu.memory_space<hbm>> -> memref<2048xf32, #tpu.memory_space<hbm>>
              tpu.enqueue_dma source(%dma_start3A_368 : memref<2048xf32, #tpu.memory_space<hbm>>) target(%run_scoped3A_1 : memref<2048xf32, #tpu.memory_space<vmem>>) target_semaphore(%arg11 : memref<!tpu.dma_semaphore, #tpu.memory_space<semaphore_mem>>)
            } else {
            }
          } else {
          }
        } else {
        }
        %scan3A_58 = arith.constant 0 : i32
        scf.yield %scan3A_58 : i32
      }
      %scan3A_32 = arith.constant 69 : i32
      %barrier3A_33 = arith.constant 0 : index
      tpu.barrier barrier_id(%barrier3A_33)
      %scan3A_34 = arith.constant 0 : i32
      %scan3A_35 = arith.constant 0 : i32
      %scan3A_36 = arith.constant 12 : i32
      %scan3A_37 = arith.addi %scan3A_35, %scan3A_36 : i32
      %scan3A_38 = arith.constant 1 : i32
      %scan3A_39 = scf.for %scan3A_48 = %scan3A_35 to %scan3A_37 step %scan3A_38 iter_args(%scan3A_49 = %scan3A_34) -> (i32)  : i32 {
        %mul3A_50 = arith.constant 16 : i32
        %mul3A_51 = arith.muli %scan3A_48, %mul3A_50 : i32
        %add3A_52 = arith.addi %arg1, %mul3A_51 : i32
        %lt3A_53 = arith.constant 191 : i32
        %lt3A_54 = arith.cmpi slt, %add3A_52, %lt3A_53 : i32
        %convert_element_type3A_55 = arith.extui %lt3A_54 : i1 to i32
        %cond3A_56 = arith.constant 0 : i32
        %cond3A_57 = arith.cmpi ne, %convert_element_type3A_55, %cond3A_56 : i32
        scf.if %cond3A_57 {
          %mul3A_59 = arith.constant 10240 : i32
          %mul3A_60 = arith.muli %add3A_52, %mul3A_59 : i32
          %mul3A_61 = arith.constant 1955840 : i32
          %mul3A_62 = arith.muli %arg0, %mul3A_61 : i32
          %mul3A_63 = arith.constant 10240 : i32
          %mul3A_64 = arith.muli %add3A_52, %mul3A_63 : i32
          %add3A_65 = arith.addi %mul3A_62, %mul3A_64 : i32
          %dma_start3A = tpu.memref_slice %arg7[%add3A_65] : memref<3911680xf32, #tpu.memory_space<hbm>> -> memref<10240xf32, #tpu.memory_space<hbm>>
          %dma_start3A_66 = tpu.memref_slice %arg8[%mul3A_60] : memref<1955840xf32, #tpu.memory_space<vmem_shared>> -> memref<10240xf32, #tpu.memory_space<vmem_shared>>
          tpu.enqueue_dma source(%dma_start3A_66 : memref<10240xf32, #tpu.memory_space<vmem_shared>>) target(%dma_start3A : memref<10240xf32, #tpu.memory_space<hbm>>) target_semaphore(%arg9 : memref<!tpu.dma_semaphore, #tpu.memory_space<semaphore_mem>>)
        } else {
        }
        %scan3A_58 = arith.constant 0 : i32
        scf.yield %scan3A_58 : i32
      }
      %scan3A_40 = arith.constant 12 : i32
      %scan3A_41 = arith.constant 0 : i32
      %scan3A_42 = arith.constant 0 : i32
      %scan3A_43 = arith.constant 12 : i32
      %scan3A_44 = arith.addi %scan3A_42, %scan3A_43 : i32
      %scan3A_45 = arith.constant 1 : i32
      %scan3A_46 = scf.for %scan3A_48 = %scan3A_42 to %scan3A_44 step %scan3A_45 iter_args(%scan3A_49 = %scan3A_41) -> (i32)  : i32 {
        %mul3A_50 = arith.constant 16 : i32
        %mul3A_51 = arith.muli %scan3A_48, %mul3A_50 : i32
        %add3A_52 = arith.addi %arg1, %mul3A_51 : i32
        %lt3A_53 = arith.constant 191 : i32
        %lt3A_54 = arith.cmpi slt, %add3A_52, %lt3A_53 : i32
        %convert_element_type3A_55 = arith.extui %lt3A_54 : i1 to i32
        %cond3A_56 = arith.constant 0 : i32
        %cond3A_57 = arith.cmpi ne, %convert_element_type3A_55, %cond3A_56 : i32
        scf.if %cond3A_57 {
          %mul3A_59 = arith.constant 10240 : i32
          %mul3A_60 = arith.muli %add3A_52, %mul3A_59 : i32
          %mul3A_61 = arith.constant 1955840 : i32
          %mul3A_62 = arith.muli %arg0, %mul3A_61 : i32
          %mul3A_63 = arith.constant 10240 : i32
          %mul3A_64 = arith.muli %add3A_52, %mul3A_63 : i32
          %add3A_65 = arith.addi %mul3A_62, %mul3A_64 : i32
          %dma_wait3A = tpu.memref_slice %arg7[%add3A_65] : memref<3911680xf32, #tpu.memory_space<hbm>> -> memref<10240xf32, #tpu.memory_space<hbm>>
          %dma_wait3A_66 = tpu.memref_slice %arg8[%mul3A_60] : memref<1955840xf32, #tpu.memory_space<vmem_shared>> -> memref<10240xf32, #tpu.memory_space<vmem_shared>>
          tpu.wait_dma2 semaphore(%arg9 : memref<!tpu.dma_semaphore, #tpu.memory_space<semaphore_mem>>) src(%dma_wait3A_66 : memref<10240xf32, #tpu.memory_space<vmem_shared>>) dst(%dma_wait3A : memref<10240xf32, #tpu.memory_space<hbm>>)
        } else {
        }
        %scan3A_58 = arith.constant 0 : i32
        scf.yield %scan3A_58 : i32
      }
      %scan3A_47 = arith.constant 12 : i32
      tpu.yield
    }) : () -> ()
    return
  }
}

module attributes {stable_mosaic.version = 14 : i64} {
  func.func @_ffn_body(%arg0: i32, %arg1: memref<512x1910xf32, #tpu.memory_space<vmem>>, %arg2: memref<1910x2048xbf16, #tpu.memory_space<vmem>>, %arg3: memref<512x1910xf32, #tpu.memory_space<vmem>>) attributes {dimension_semantics = [#tpu.dimension_semantics<arbitrary>], iteration_bounds = array<i64: 8>, scalar_prefetch = 0 : i64, scratch_operands = 0 : i64, tpu.core_type = #tpu.core_type<tc>, window_params = [{transform_indices = @transform_0, window_bounds = array<i64: 512, 1910>}, {pipeline_mode = #tpu.pipeline_mode<synchronous>, transform_indices = @transform_1, window_bounds = array<i64: 1910, 2048>}, {transform_indices = @transform_2, window_bounds = array<i64: 512, 1910>}]} {
    %get3A = arith.constant 0 : index
    %get3A_0 = arith.constant 0 : index
    %get3A_1 = vector.load %arg1[%get3A, %get3A_0] : memref<512x1910xf32, #tpu.memory_space<vmem>>, vector<512x1910xf32>
    %convert_element_type3A = arith.truncf %get3A_1 : vector<512x1910xf32> to vector<512x1910xbf16>
    %get3A_2 = arith.constant 0 : index
    %get3A_3 = arith.constant 0 : index
    %get3A_4 = vector.load %arg2[%get3A_2, %get3A_3] : memref<1910x2048xbf16, #tpu.memory_space<vmem>>, vector<1910x2048xbf16>
    %dot_general3A = arith.constant dense<0.000000e+00> : vector<512x2048xf32>
    %dot_general3A_5 = tpu.matmul %convert_element_type3A, %get3A_4, %dot_general3A {dimension_numbers = #tpu.dot_dimension_numbers<[1], [0], [0], [1], [0, 0, 1, 1], [], []>, transpose_lhs_hint = false} : vector<512x1910xbf16>, vector<1910x2048xbf16>, vector<512x2048xf32> -> vector<512x2048xf32>
    %mul3A = arith.constant 6.180340e-01 : f32
    %mul3A_6 = vector.broadcast %mul3A : f32 to vector<512x1910xf32>
    %mul3A_7 = arith.mulf %mul3A_6, %get3A_1 : vector<512x1910xf32>
    %slice3A = vector.extract_strided_slice %dot_general3A_5 {offsets = [0, 0], sizes = [512, 1910], strides = [1, 1]} : vector<512x2048xf32> to vector<512x1910xf32>
    %mul3A_8 = arith.constant 0.381966025 : f32
    %mul3A_9 = vector.broadcast %mul3A_8 : f32 to vector<512x1910xf32>
    %mul3A_10 = arith.mulf %mul3A_9, %slice3A : vector<512x1910xf32>
    %add3A = arith.addf %mul3A_7, %mul3A_10 : vector<512x1910xf32>
    %swap3A = arith.constant 0 : index
    %swap3A_11 = arith.constant 0 : index
    %swap3A_12 = vector.load %arg3[%swap3A, %swap3A_11] : memref<512x1910xf32, #tpu.memory_space<vmem>>, vector<512x1910xf32>
    tpu.vector_store %arg3[%swap3A, %swap3A_11], %add3A {strides = array<i32>} : memref<512x1910xf32, #tpu.memory_space<vmem>>, vector<512x1910xf32>,
    return
  }
  func.func @transform_0(%arg0: i32) -> (i32, i32) {
    %c0_i32 = arith.constant 0 : i32
    %c0_i32_0 = arith.constant 0 : i32
    return %arg0, %c0_i32 : i32, i32
  }
  func.func @transform_1(%arg0: i32) -> (i32, i32) {
    %c0_i32 = arith.constant 0 : i32
    %c0_i32_0 = arith.constant 0 : i32
    %c0_i32_1 = arith.constant 0 : i32
    return %c0_i32, %c0_i32_0 : i32, i32
  }
  func.func @transform_2(%arg0: i32) -> (i32, i32) {
    %c0_i32 = arith.constant 0 : i32
    %c0_i32_0 = arith.constant 0 : i32
    return %arg0, %c0_i32 : i32, i32
  }
}

</mosaic_0001>

<sc_bundles>
// kernel: kernel.4.cloned.1.call-start
scs
__scs_entry_jumppad:
0x0: {  	(pc) =	sbr.rel $0x88, $3  }
0x1: {  	(tag) =	ssettag $0x0;
	lr =	simm.s32 $0x1  }
0x2: {  	[smem:$0x3F9E] =	sst lr;
	_ =	strace $0xD0000000  }
0x3: {  	_ = 	snop  }
0x4: {  	_ = 	snop  }
0x5: {  	_ = 	snop  }
0x6: {  	_ = 	snop  }
0x7: {  	_ = 	snop  }
__scs_overlays_trampoline_lowered:
0x8: {  	[smem:$0x3FAD] =	sst s0  }
0x9: {  	[smem:$0x3FAE] =	sst s1  }
0xa: {  	[smem:$0x3FAF] =	sst s2  }
0xb: {  	[smem:$0x3FB0] =	sst s3  }
0xc: {  	[smem:$0x3FB1] =	sst s4  }
0xd: {  	[smem:$0x3FB2] =	sst s5  }
0xe: {  	[smem:$0x3FB3] =	sst s6  }
0xf: {  	[smem:$0x3FB4] =	sst s7  }
0x10: {  	[smem:$0x3FB5] =	sst s8  }
0x11: {  	[smem:$0x3FB6] =	sst s9;
	s0 =	simm.s32 @!p0 $0x0  }
0x12: {  	s1 =	sld [smem:$0x3F9C];
	s0 =	simm.s32 @p0 $0x1  }
0x13: {  	[smem:$0x3FB7] =	sst s0;
	s0 =	simm.s32 @!p1 $0x0  }
0x14: {  	s2 =	sld [smem:$0x3F9B];
	s0 =	simm.s32 @p1 $0x1  }
0x15: {  	[smem:$0x3FB8] =	sst s0;
	s0 =	simm.s32 @!p2 $0x0  }
0x16: {  	s3 =	sld [smem:$0x3FDB];
	s0 =	simm.s32 @p2 $0x1  }
0x17: {  	s4 =	simm.s32 $0x1BF5;
	[smem:$0x3FBA] =	sst s0  }
0x18: {  	s0 =	sld [smem:$0x3F9D];
	_ =	swait.ge [sflag:s4], $0x0  }
0x19: {  	s7 =	sld [smem:$0x3F9E]  }
0x1a: {  	s8 =	sadd.s32 $0xFFFFE003, lr  }
0x1b: {  	s9 =	sadd.s32 $0xFFFFFEF7, lr;
	s5 =	simm.s32 $0xFFFFFFFF;
	p2 =	slt.u32 s8, $0xFFFFF086  }
0x1c: {  	p1 =	slt.u32 s9, $0xF7A;
	s5 =	simm.s32 @!p2 $0x0  }
0x1d: {  	s5 =	simm.s32 @p1 $0x1;
	p0 =	seq.s32 s7, s2  }
0x1e: {  	s7 =	smul.u32 @!p0 $0xF7A, s2;
	p2 =	seq.s32 @!p0 s5, $0x0  }
0x1f: {  	s9 =	smul.u32 $0xF7A, s1;
	s8 =	simm.s32 @!p0 $0x1BF5;
	p2 =	por !p2, p0  }
0x20: {  	[sflag:s8] =	ssyncset.s32 @!p0 $0xFFFFF086;
	s6 =	sadd.s32 @!p0 s3, s7;
	s7 =	simm.s32 @!p0 $0x108  }
0x21: {  	s3 =	sadd.s32 s3, s9;
	s6 =	sadd.s32 @!p0 $0x88, s6;
	s7 =	simm.s32 @p2 $0x1082  }
0x22: {  	[simem:s7], [sflag:s8] =	dma.local @!p0 [hbm:s6], $0xF7A  }
0x23: {  	s9 =	sor.u32 $0xD0000000, s2;
	s6 =	simm.s32 $0x108;
	_ =	swait.ge @!p0 [sflag:s8], $0x0  }
0x24: {  	s3 =	sadd.s32 $0x88, s3;
	s6 =	simm.s32 @!p1 $0x1082;
	[sflag:s4] =	ssyncset.s32 $0xFFFFF086  }
0x25: {  	[simem:s6], [sflag:s4] =	dma.local [hbm:s3], $0xF7A  }
0x26: {  	[smem:$0x3F9E] =	sst s1;
	(tag) =	ssettag s2;
	_ =	strace s9  }
0x27: {  	s1 =	sld [smem:$0x3FAE]  }
0x28: {  	s2 =	sld [smem:$0x3FAF]  }
0x29: {  	s4 =	sld [smem:$0x3FB1]  }
0x2a: {  	p0 =	seq.s32 s5, $0x0;
	s5 =	sld [smem:$0x3FB2]  }
0x2b: {  	s6 =	sld [smem:$0x3FB3]  }
0x2c: {  	s7 =	sld [smem:$0x3FB4]  }
0x2d: {  	s3 =	simm.s32 $0x108;
	s8 =	sld [smem:$0x3FB5]  }
0x2e: {  	s3 =	simm.s32 @!p0 $0x1082;
	s9 =	sld [smem:$0x3FB6]  }
0x2f: {  	lr =	sadd.s32 s0, s3;
	s0 =	sld [smem:$0x3FAD]  }
0x30: {  	s3 =	sld [smem:$0x3FB0]  }
0x31: {  	[smem:$0x3FB9] =	sst s10  }
0x32: {  	s10 =	sld [smem:$0x3FB7];
	_ =	sdelay $0x3  }
0x33: {  	p0 =	seq.s32 s10, $0x1;
	s10 =	sld [smem:$0x3FB9];
	_ =	sdelay $0x3  }
0x34: {  	[smem:$0x3FB9] =	sst s10  }
0x35: {  	s10 =	sld [smem:$0x3FB8];
	_ =	sdelay $0x3  }
0x36: {  	p1 =	seq.s32 s10, $0x1;
	s10 =	sld [smem:$0x3FB9];
	_ =	sdelay $0x3  }
0x37: {  	[smem:$0x3FB9] =	sst s10  }
0x38: {  	s10 =	sld [smem:$0x3FBA]  }
0x39: {  	_ = 	snop;
	(pc) =	sbr.ind lr, $3  }
0x3a: {  	_ = 	snop  }
0x3b: {  	_ = 	snop  }
0x3c: {  	p2 =	seq.s32 s10, $0x1;
	s10 =	sld [smem:$0x3FB9]  }
0x3d: {  	_ =	shalt  }
0x3e: {  	_ =	shalt  }
0x3f: {  	_ =	shalt  }
0x40: {  	_ =	shalt  }
0x41: {  	_ =	shalt  }
0x42: {  	_ =	shalt  }
0x43: {  	_ =	shalt  }
0x44: {  	_ =	shalt  }
0x45: {  	_ =	shalt  }
0x46: {  	_ =	shalt  }
0x47: {  	_ =	shalt  }
0x48: {  	_ =	shalt  }
0x49: {  	_ =	shalt  }
0x4a: {  	_ =	shalt  }
0x4b: {  	_ =	shalt  }
0x4c: {  	_ =	shalt  }
0x4d: {  	_ =	shalt  }
0x4e: {  	_ =	shalt  }
0x4f: {  	_ =	shalt  }
0x50: {  	_ =	shalt  }
0x51: {  	_ =	shalt  }
0x52: {  	_ =	shalt  }
0x53: {  	_ =	shalt  }
0x54: {  	_ =	shalt  }
0x55: {  	_ =	shalt  }
0x56: {  	_ =	shalt  }
0x57: {  	_ =	shalt  }
0x58: {  	_ =	shalt  }
0x59: {  	_ =	shalt  }
0x5a: {  	_ =	shalt  }
0x5b: {  	_ =	shalt  }
0x5c: {  	_ =	shalt  }
0x5d: {  	_ =	shalt  }
0x5e: {  	_ =	shalt  }
0x5f: {  	_ =	shalt  }
0x60: {  	_ =	shalt  }
0x61: {  	_ =	shalt  }
0x62: {  	_ =	shalt  }
0x63: {  	_ =	shalt  }
0x64: {  	_ =	shalt  }
0x65: {  	_ =	shalt  }
0x66: {  	_ =	shalt  }
0x67: {  	_ =	shalt  }
0x68: {  	_ =	shalt  }
0x69: {  	_ =	shalt  }
0x6a: {  	_ =	shalt  }
0x6b: {  	_ =	shalt  }
0x6c: {  	_ =	shalt  }
0x6d: {  	_ =	shalt  }
0x6e: {  	_ =	shalt  }
0x6f: {  	_ =	shalt  }
0x70: {  	_ =	shalt  }
0x71: {  	_ =	shalt  }
0x72: {  	_ =	shalt  }
0x73: {  	_ =	shalt  }
0x74: {  	_ =	shalt  }
0x75: {  	_ =	shalt  }
0x76: {  	_ =	shalt  }
0x77: {  	_ =	shalt  }
0x78: {  	_ =	shalt  }
0x79: {  	_ =	shalt  }
0x7a: {  	_ =	shalt  }
0x7b: {  	_ =	shalt  }
0x7c: {  	_ =	shalt  }
0x7d: {  	_ =	shalt  }
0x7e: {  	_ =	shalt  }
0x7f: {  	_ =	shalt  }
0x80: {  	_ =	shalt  }
0x81: {  	_ =	shalt  }
0x82: {  	_ =	shalt  }
0x83: {  	_ =	shalt  }
0x84: {  	_ =	shalt  }
0x85: {  	_ =	shalt  }
0x86: {  	_ =	shalt  }
0x87: {  	_ =	shalt  }
.Lfunc_end0:
.L_simem_size_0:
called_computation_lowered:
.L_overlay_start_0:
0x88: {  	s2 =	sld [smem:$0x3FD9]  }
0x89: {  	s3 =	sld [smem:$0x3FFE];
	_ =	sdelay $0x1  }
0x8a: {  	s1 =	srdreg.scid  }
0x8b: {  	s0 =	sand.u32 $0x1, s1  }
0x8c: {  	s17 =	sshll.u32 s0, $0xA;
	s2 =	sadd.s32 s3, s2  }
0x8d: {  	s2 =	sadd.s32 s2, s17  }
0x8e: {  	[smem:$0x3FC5] =	sst s2  }
0x8f: {  	_ = 	snop  }
0x90: {  	s2 =	sld [smem:$0x3FC8]  }
0x91: {  	s18 =	sld [smem:$0x3FC7]  }
0x92: {  	s4 =	sld [smem:$0x3FD0];
	(tm) =	ssettm $0x1  }
0x93: {  	s5 =	sld [smem:$0x3FFB];
	_ =	sdelay $0x3  }
0x94: {  	_ =	strace s5  }
0x95: {  	s5 =	sld [smem:$0x3FFC];
	_ =	sdelay $0x3  }
0x96: {  	_ =	strace s5  }
0x97: {  	s5 =	sld [smem:$0x3FFD];
	_ =	sdelay $0x3  }
0x98: {  	_ =	strace s5  }
0x99: {  	_ =	strace $0x8FFFFFFF  }
0x9a: {  	s19 =	sld [smem:$0x3FDB];
	_ =	sdelay $0x1  }
0x9b: {  	s6 =	simm.s32 $_scs_section_size  }
0x9c: {  	s7 =	simm.s32 $_size__tile_overlayer_lowered;
	s8 =	simm.s32 $_tile_overlayer_lowered  }
0x9d: {  	s22 =	simm.s32 $0x1BFF;
	s21 =	sshll.u32 s8, $0x1;
	s5 =	sadd.s32 s6, s19  }
0x9e: {  	s9 =	simm.s32 $0x0;
	s20 =	sshll.u32 s7, $0x1;
	s7 =	sadd.s32 s21, s5  }
0x9f: {  	[timem:s9], [sflag:s22] =	dma.local [hbm:s7], s20  }
0xa0: {  	_ =	swait.ge [sflag:s22], s20  }
0xa1: {  	s6 =	ssub.s32 $0x0, s20;
	[sflag:s22] =	ssyncset.done $0x0  }
0xa2: {  	[sflag:s22] =	ssyncadd.s32 s6;
	_ =	sdelay $0x1  }
0xa3: {  	s23 =	simm.s32 $0x1B8B  }
0xa4: {  	_ =	swait.ge [sflag:s23], $0x1  }
0xa5: {  	[sflag:s23] =	ssyncset.done $0x0  }
0xa6: {  	s25 =	simm.s32 $0x1B8E;
	s24 =	sld [smem:$0x3FFE];
	[sflag:s23] =	ssyncadd.s32 $0xFFFFFFFF  }
0xa7: {  	s26 =	simm.s32 $execute0_lowered;
	[smem:$0x3FD2] =	sst s25  }
0xa8: {  	s7 =	sshll.u32 s26, $0x1;
	_ =	strace $0x80000046;
	[dreg:$0x1] =	wrdreg $0xFFFFFFFF  }
0xa9: {  	s28 =	simm.s32 $_size_execute0_lowered;
	s5 =	sadd.s32 s5, s7;
	[dreg:$0x0] =	wrdreg $0x0  }
0xaa: {  	s7 =	sshll.u32 s28, $0x1;
	[dreg:$0x2] =	wrdreg s5  }
0xab: {  	[dreg:$0x3] =	wrdreg s7  }
0xac: {  	[dreg:$0x4] =	wrdreg $0xC0  }
0xad: {  	_ =	task [dreg:s9], $0x5FFFF  }
0xae: {  	[dreg:$0x1] =	wrdreg $0xFFFFFFFF  }
0xaf: {  	[dreg:$0x0] =	wrdreg $0x60  }
0xb0: {  	[dreg:$0x2] =	wrdreg s2  }
0xb1: {  	[dreg:$0x3] =	wrdreg s18  }
0xb2: {  	[dreg:$0x4] =	wrdreg s24  }
0xb3: {  	[dreg:$0x5] =	wrdreg s4  }
0xb4: {  	[dreg:$0x6] =	wrdreg $0x0  }
0xb5: {  	[dreg:$0x7] =	wrdreg $0x9  }
0xb6: {  	_ =	task.clear_ibuf [dreg:s9], $0x8FFFF;
	_ =	strace $0x90000046  }
0xb7: {  	s29 =	simm.s32 $0x9;
	_ =	strace $0x80000048  }
0xb8: {  	_ =	swait.ge [sflag:s29], $0x1  }
0xb9: {  	[sflag:s29] =	ssyncadd.s32 $0xFFFFFFFF  }
0xba: {  	_ =	strace $0x90000048  }
0xbb: {  	_ =	sfence  }
0xbc: {  	s30 =	sld [smem:$0x0];
	_ =	sdelay $0x2  }
0xbd: {  	s31 =	sshll.u32 s1, $0xD;
	s1 =	sshrl.u32 s1, $0x2  }
0xbe: {  	s3 =	sand.u32 $0x4000, s31;
	s1 =	sadd.s32 s1, s30  }
0xbf: {  	s0 =	sor.u32 s3, s0;
	s1 =	sshll.u32 s1, $0x11  }
0xc0: {  	s0 =	sor.u32 s1, s0  }
0xc1: {  	s0 =	sadd.s32 $0x8F2B, s0  }
0xc2: {  	[sflag:s0] =	ssyncadd.remote.s32 $0x1  }
0xc3: {  	_ =	sfence.sel $0xFFFF  }
0xc4: {  	[dreg:$0x0] =	wrdreg $0xFFFFFFFF;
	(pc) =	sbr.abs _section_cstart, $3  }
0xc5: {  	[dreg:$0x1] =	wrdreg $0xFFFFFFFF  }
0xc6: {  	_ =	task.clear_ibuf [dreg:s9], $0x2FFFF;
	_ =	strace $0x9FFFFFFF  }
0xc7: {  	(tm) =	ssettm $0x7FFFFFFF  }
tec
execute0_lowered:
.L_overlay_start_1:
0x0: {  	(tag) =	ssettag $0x1  }
0x1: {  	s11 =	rddreg [dreg:$0x0]  }
0x2: {  	s12 =	rddreg [dreg:$0x1]  }
0x3: {  	s0 =	rddreg [dreg:$0x2]  }
0x4: {  	s2 =	rddreg [dreg:$0x3]  }
0x5: {  	s3 =	rddreg [dreg:$0x4];
	s1 =	simm.s32 $0x0;
	s15 =	srdreg.scid  }
0x6: {  	s5 =	stileid.u32;
	s29 =	simm.s32 $0x1;
	s31 =	simm.s32 $0x1ED80  }
0x7: {  	s30 =	simm.s32 $0x3;
	[smem:$0x7FF] =	sst s1;
	s6 =	sadd.s32 $0x400, s0  }
0x8: {  	s7 =	sadd.s32 $0x200, s0;
	s4 =	sand.u32 $0x1, s15;
	s8 =	sadd.s32 $0x600, s0  }
0x9: {  	s10 =	sshll.u32 s5, $0x9;
	s18 =	smul.u32 $0xA000, s5;
	s19 =	sshll.u32 s5, $0x8  }
0xa: {  	s21 =	sshll.u32 s5, $0x6;
	s23 =	smul.u32 $0x2800, s5;
	p0 =	seq.s32 s5, $0xF  }
0xb: {  	s28 =	ssub.s32 $0x44D, s5;
	_ =	strace $0x80000047;
	s16 =	ssub.s32 $0x2, s4  }
0xc: {  	s1 =	smul.u32 $0x3BB, s4;
	s17 =	sadd.s32 s11, s10;
	s10 =	sor.u32 $0x10, s5  }
0xd: {  	s4 =	smul.u32 $0x1DD800, s4;
	s11 =	sadd.s32 s12, s19;
	s14 =	sor.u32 $0x1C01, s21  }
0xe: {  	s12 =	simm.s32 $0x1F280;
	s9 =	sshrl.u32 s16, $0x1;
	[dreg:$0x6] =	wrdreg s17  }
0xf: {  	[dreg:$0x7] =	wrdreg s11;
	s20 =	smul.u32 $0xA000, s10;
	s0 =	ssub.s32 s16, s9  }
0x10: {  	s9 =	sshrl.u32 s18, $0x2;
	s4 =	sadd.s32 s23, s4;
	s0 =	smax.u32 s0, $0x1  }
0x11: {  	s18 =	sadd.s32 s9, s3;
	s22 =	sshrl.u32 s20, $0x2;
	s4 =	sshrl.u32 s4, $0x3  }
0x12: {  	s9 =	simm.s32 $0x0;
	[dreg:$0x8] =	wrdreg s0;
	s0 =	sadd.s32 s22, s3  }
0x13: {  	s24 =	sadd.s32 $0x50000, s18;
	s25 =	sadd.s32 $0x78000, s18;
	s13 =	sadd.s32 $0xA0000, s18  }
0x14: {  	s15 =	sadd.s32 $0xC8000, s18;
	s2 =	sadd.s32 s4, s2;
	[dreg:$0x9] =	wrdreg s18  }
0x15: {  	s26 =	sadd.s32 $0xF0000, s18;
	[dreg:$0xa] =	wrdreg s2;
	s0 =	sshrl.u32 s0, $0x3  }
0x16: {  	s16 =	sadd.s32 $0x118000, s18;
	s11 =	sshrl.u32 s24, $0x3;
	[dreg:$0xb] =	wrdreg s0  }
0x17: {  	s17 =	sadd.s32 $0x140000, s18;
	s19 =	sshrl.u32 s25, $0x3;
	[dreg:$0xc] =	wrdreg s11  }
0x18: {  	s4 =	sadd.s32 $0x168000, s18;
	s20 =	sshrl.u32 s13, $0x3;
	[dreg:$0xd] =	wrdreg s19  }
0x19: {  	s21 =	sshrl.u32 s15, $0x3;
	s22 =	sshrl.u32 s26, $0x3;
	[dreg:$0xe] =	wrdreg s20  }
0x1a: {  	s23 =	sshrl.u32 s16, $0x3;
	s24 =	sshrl.u32 s17, $0x3;
	[dreg:$0xf] =	wrdreg s21  }
0x1b: {  	s25 =	sshrl.u32 s4, $0x3;
	s26 =	sadd.s32 $0x190000, s18;
	[dreg:$0x10] =	wrdreg s22  }
0x1c: {  	s2 =	sadd.s32 $0x1B8000, s18;
	s4 =	simm.s32 $0x80;
	[dreg:$0x11] =	wrdreg s23  }
0x1d: {  	s16 =	simm.s32 $0x1FB00;
	s17 =	simm.s32 $0x1F300;
	[dreg:$0x12] =	wrdreg s24  }
0x1e: {  	s18 =	simm.s32 $0x1FB80;
	[dreg:$0x13] =	wrdreg s25;
	s0 =	sshrl.u32 s26, $0x3  }
0x1f: {  	s19 =	simm.s32 $0x1F380;
	s20 =	simm.s32 $0x1FC00;
	s21 =	simm.s32 $0x1F400  }
0x20: {  	s22 =	simm.s32 $0x1FC80;
	s23 =	simm.s32 $0x1F480;
	s24 =	simm.s32 $0x1FD00  }
0x21: {  	s25 =	simm.s32 $0x1F500;
	[dreg:$0x14] =	wrdreg s0;
	s0 =	sshrl.u32 @!p0 s2, $0x3  }
0x22: {  	v0 =	vmov s1;
	s26 =	simm.s32 $0x4;
	[dreg:$0x15] =	wrdreg s0;
	s0 =	simm.s32 $0x2  }
.LBB2_1:
0x23: {  	s1 =	rddreg [dreg:$0x9]  }
0x24: {  	[dreg:$0x16] =	wrdreg s9;
	s1 =	sshrl.u32 s1, $0x3  }
0x25: {  	[spmem:s1], [sflag:s14] =	dma.local [hbm:s8], $0x500  }
0x26: {  	s1 =	rddreg [dreg:$0xb]  }
0x27: {  	[spmem:s1], [sflag:s14] =	dma.local [hbm:s8], $0x500  }
0x28: {  	s1 =	rddreg [dreg:$0xc]  }
0x29: {  	[spmem:s1], [sflag:s14] =	dma.local [hbm:s8], $0x500  }
0x2a: {  	s1 =	rddreg [dreg:$0xd]  }
0x2b: {  	[spmem:s1], [sflag:s14] =	dma.local [hbm:s8], $0x500  }
0x2c: {  	s1 =	rddreg [dreg:$0xe]  }
0x2d: {  	[spmem:s1], [sflag:s14] =	dma.local [hbm:s8], $0x500  }
0x2e: {  	s1 =	rddreg [dreg:$0xf]  }
0x2f: {  	[spmem:s1], [sflag:s14] =	dma.local [hbm:s8], $0x500  }
0x30: {  	s1 =	rddreg [dreg:$0x10]  }
0x31: {  	[spmem:s1], [sflag:s14] =	dma.local [hbm:s8], $0x500  }
0x32: {  	s1 =	rddreg [dreg:$0x11]  }
0x33: {  	[spmem:s1], [sflag:s14] =	dma.local [hbm:s8], $0x500  }
0x34: {  	s1 =	rddreg [dreg:$0x12]  }
0x35: {  	[spmem:s1], [sflag:s14] =	dma.local [hbm:s8], $0x500  }
0x36: {  	s1 =	rddreg [dreg:$0x13]  }
0x37: {  	[spmem:s1], [sflag:s14] =	dma.local [hbm:s8], $0x500  }
0x38: {  	s1 =	rddreg [dreg:$0x14]  }
0x39: {  	[spmem:s1], [sflag:s14] =	dma.local [hbm:s8], $0x500  }
0x3a: {  	s1 =	rddreg [dreg:$0x15]  }
0x3b: {  	[spmem:s1], [sflag:s14] =	dma.local @!p0 [hbm:s8], $0x500  }
0x3c: {  	_ =	swait.ge [sflag:s29], $0x500  }
0x3d: {  	[sflag:s29] =	ssyncset.done $0x0  }
0x3e: {  	[sflag:s29] =	ssyncadd.s32 $0xFFFFFB00  }
0x3f: {  	_ =	swait.ge [sflag:s29], $0x500  }
0x40: {  	[sflag:s29] =	ssyncset.done $0x0  }
0x41: {  	[sflag:s29] =	ssyncadd.s32 $0xFFFFFB00  }
0x42: {  	_ =	swait.ge [sflag:s29], $0x500  }
0x43: {  	[sflag:s29] =	ssyncset.done $0x0  }
0x44: {  	[sflag:s29] =	ssyncadd.s32 $0xFFFFFB00  }
0x45: {  	_ =	swait.ge [sflag:s29], $0x500  }
0x46: {  	[sflag:s29] =	ssyncset.done $0x0  }
0x47: {  	[sflag:s29] =	ssyncadd.s32 $0xFFFFFB00  }
0x48: {  	_ =	swait.ge [sflag:s29], $0x500  }
0x49: {  	[sflag:s29] =	ssyncset.done $0x0  }
0x4a: {  	[sflag:s29] =	ssyncadd.s32 $0xFFFFFB00  }
0x4b: {  	_ =	swait.ge [sflag:s29], $0x500  }
0x4c: {  	[sflag:s29] =	ssyncset.done $0x0  }
0x4d: {  	[sflag:s29] =	ssyncadd.s32 $0xFFFFFB00  }
0x4e: {  	_ =	swait.ge [sflag:s29], $0x500  }
0x4f: {  	[sflag:s29] =	ssyncset.done $0x0  }
0x50: {  	[sflag:s29] =	ssyncadd.s32 $0xFFFFFB00  }
0x51: {  	_ =	swait.ge [sflag:s29], $0x500  }
0x52: {  	[sflag:s29] =	ssyncset.done $0x0  }
0x53: {  	[sflag:s29] =	ssyncadd.s32 $0xFFFFFB00  }
0x54: {  	_ =	swait.ge [sflag:s29], $0x500  }
0x55: {  	[sflag:s29] =	ssyncset.done $0x0  }
0x56: {  	[sflag:s29] =	ssyncadd.s32 $0xFFFFFB00  }
0x57: {  	_ =	swait.ge [sflag:s29], $0x500  }
0x58: {  	[sflag:s29] =	ssyncset.done $0x0  }
0x59: {  	[sflag:s29] =	ssyncadd.s32 $0xFFFFFB00  }
0x5a: {  	_ =	swait.ge [sflag:s29], $0x500  }
0x5b: {  	[sflag:s29] =	ssyncset.done $0x0  }
0x5c: {  	s1 =	simm.s32 @!p0 $0x1;
	[sflag:s29] =	ssyncadd.s32 $0xFFFFFB00  }
0x5d: {  	_ =	swait.ge @!p0 [sflag:s1], $0x500  }
0x5e: {  	[sflag:s1] =	ssyncset.done @!p0 $0x0  }
0x5f: {  	[sflag:s1] =	ssyncadd.s32 @!p0 $0xFFFFFB00  }
0x60: {  	s11 =	simm.s32 $0x0;
	[bflag:$0x0] =	sbarrier.arrive $0xFFFF  }
.Ltmp0:
0x61: {  	s13 =	simm.s32 $0x1DD80;
	s2 =	rddreg [dreg:$0x6];
	(pc) =	sbr.rel .LBB2_2-.Ltmp0, $4  }
0x62: {  	[tilespmem:s13], [sflag:$0x2] =	stream.linear.gather [hbm4b:s2+s11], $0x1000, $0x38;
	[tilespmem:$0x1FD80] =	vst v63  }
0x63: {  	s15 =	rddreg [dreg:$0x7]  }
0x64: {  	[tilespmem:s31], [sflag:$0x3] =	stream.linear.gather [hbm4b:s15+s11], $0x800, $0x38;
	[tilespmem:$0x1FD80] =	vst v63  }
0x65: {  	s15 =	simm.s32 $0x0  }
.LBB2_6:
0x66: {  	s15 =	sadd.s32 $0x1, s15  }
0x67: {  	p1 =	sne.s32 s15, $0x45  }
.Ltmp1:
0x68: {  	_ = 	snop;
	(pc) =	sbr.rel @!p1 .LBB2_7-.Ltmp1, $1  }
0x69: {  	_ =	sdelay $0x3  }
.LBB2_2:
0x6a: {  	s13 =	sshll.u32 s15, $0x4  }
0x6b: {  	p1 =	sge.u32 s13, s28  }
.Ltmp2:
0x6c: {  	_ = 	snop;
	(pc) =	sbr.rel @p1 .LBB2_6-.Ltmp2, $1  }
0x6d: {  	_ =	sdelay $0x3  }
0x6e: {  	_ =	swait.ge [sflag:s0], $0x1000  }
0x6f: {  	[sflag:s0] =	ssyncset.done $0x0  }
0x70: {  	[sflag:s0] =	ssyncadd.s32 $0xFFFFF000  }
0x71: {  	_ =	swait.ge [sflag:s30], $0x800  }
0x72: {  	[sflag:s30] =	ssyncset.done $0x0  }
0x73: {  	s1 =	simm.s32 $0x1DE00;
	[sflag:s30] =	ssyncadd.s32 $0xFFFFF800  }
0x74: {  	v1 =	vld [tilespmem:s1+$0x70]  }
0x75: {  	v2 =	vld [tilespmem:s1+$0x0]  }
0x76: {  	v3 =	vld [tilespmem:s1+$0xFFFFFFF0]  }
0x77: {  	v4 =	vld [tilespmem:s1+$0x10]  }
0x78: {  	v5 =	vld [tilespmem:s1+$0x20]  }
0x79: {  	v8 =	vld [tilespmem:s1+$0x40]  }
0x7a: {  	v10 =	vld [tilespmem:s1+$0x50]  }
0x7b: {  	v6 =	vld [tilespmem:s1+$0x30];
	v7 =	vsub.s32 v1, v0  }
0x7c: {  	v11 =	vld [tilespmem:s1+$0xFFFFFF90];
	v2 =	vsub.s32 v2, v0;
	v4 =	vsub.s32 v4, v0;
	v9 =	vshll.u32 v7, $0xB  }
0x7d: {  	v13 =	vld [tilespmem:s1+$0xFFFFFFA0];
	v1 =	vshll.u32 v2, $0xB;
	vm1 =	vlt.u32 v7, $0x3BB;
	vm0 =	vlt.u32 v2, $0x3BB  }
0x7e: {  	v15 =	vld [tilespmem:s1+$0xFFFFFFB0];
	v12 =	vshll.u32 v4, $0xB;
	vm4 =	vlt.u32 v4, $0x3BB;
	v2 =	vsub.s32 v5, v0  }
0x7f: {  	v7 =	vld [tilespmem:s1+$0x60];
	v4 =	vsub.s32 v8, v0;
	v5 =	vsub.s32 v10, v0;
	v3 =	vadd.s32 v3, v9  }
0x80: {  	v14 =	vshll.u32 v2, $0xB;
	vm5 =	vlt.u32 v2, $0x3BB;
	vm2 =	vlt.u32 v4, $0x3BB  }
0x81: {  	v2 =	vld [tilespmem:s1+$0xFFFFFFC0];
	v11 =	vadd.s32 v11, v12;
	v9 =	vnsel vm1, $0xFFFFFFFF, v3;
	v3 =	vsub.s32 v6, v0  }
0x82: {  	v16 =	vshll.u32 v3, $0xB;
	vm1 =	vlt.u32 v3, $0x3BB;
	v3 =	vshll.u32 v4, $0xB;
	v4 =	vld [tilespmem:s1+$0xFFFFFFD0]  }
0x83: {  	s2 =	simm.s32 $0x0;
	vm3 =	vlt.u32 v5, $0x3BB;
	v6 =	vshll.u32 v5, $0xB;
	v5 =	vld [tilespmem:s1+$0xFFFFFFE0];
	v11 =	vnsel vm4, $0xFFFFFFFF, v11  }
0x84: {  	v8 =	vld [tilespmem:s1+$0xFFFFFF80];
	v63 =	vadd.s32 v13, v14;
	s1 =	simm.s32 $0x1DF00;
	[tilespmem:s2+$0x1F590] =	vst v11;
	v11 =	vadd.s32 v15, v16;
	v10 =	vsub.s32 v7, v0  }
0x85: {  	s9 =	simm.s32 $0x200;
	s11 =	simm.s32 $0x400;
	[tilespmem:s2+$0x1F5F0] =	vst v9;
	v9 =	vld [tilespmem:s1+$0x70];
	v7 =	vshll.u32 v10, $0xB;
	vm4 =	vlt.u32 v10, $0x3BB;
	v10 =	vnsel vm5, $0xFFFFFFFF, v63  }
.LBB2_4:
0x86: {  	p1 =	sne.s32 s11, $0x1E00;
	v12 =	vld [tilespmem:s1+$0x0];
	[tilespmem:s2+$0x1F5A0] =	vst v10;
	v10 =	vnsel vm1, $0xFFFFFFFF, v11;
	v2 =	vadd.s32 v2, v3  }
0x87: {  	v3 =	vld [tilespmem:s1+$0xFFFFFFF0];
	[tilespmem:s2+$0x1F5B0] =	vst v10;
	v2 =	vnsel vm2, $0xFFFFFFFF, v2;
	v4 =	vadd.s32 v4, v6  }
0x88: {  	v6 =	vld [tilespmem:s1+$0x10];
	[tilespmem:s2+$0x1F5C0] =	vst v2;
	v2 =	vnsel vm3, $0xFFFFFFFF, v4;
	v4 =	vadd.s32 v5, v7  }
0x89: {  	v5 =	vld [tilespmem:s1+$0x20];
	v1 =	vadd.s32 v8, v1;
	[tilespmem:s2+$0x1F5D0] =	vst v2;
	v2 =	vnsel vm4, $0xFFFFFFFF, v4  }
0x8a: {  	v4 =	vld [tilespmem:s1+$0x30];
	v7 =	vsub.s32 v9, v0;
	v1 =	vnsel vm0, $0xFFFFFFFF, v1;
	[tilespmem:s2+$0x1F5E0] =	vst v2  }
0x8b: {  	v2 =	vsub.s32 v12, v0;
	v8 =	vld [tilespmem:s1+$0x40];
	v9 =	vshll.u32 v7, $0xB;
	[tilespmem:s2+$0x1F580] =	vst v1  }
0x8c: {  	vm1 =	vlt.u32 v7, $0x3BB;
	v1 =	vshll.u32 v2, $0xB;
	v10 =	vld [tilespmem:s1+$0x50];
	v3 =	vadd.s32 v3, v9  }
0x8d: {  	s2 =	sshra.s32 s9, $0x2;
	s9 =	smov.u32 s11;
	vm0 =	vlt.u32 v2, $0x3BB;
	v2 =	vsub.s32 v6, v0;
	v7 =	vld [tilespmem:s1+$0x60];
	v3 =	vnsel vm1, $0xFFFFFFFF, v3  }
0x8e: {  	v9 =	vld [tilespmem:s1+$0xFFFFFF90];
	v11 =	vshll.u32 v2, $0xB;
	vm5 =	vlt.u32 v2, $0x3BB;
	v2 =	vsub.s32 v5, v0;
	[tilespmem:s2+$0x1F5F0] =	vst v3  }
0x8f: {  	v12 =	vld [tilespmem:s1+$0xFFFFFFA0];
	v13 =	vshll.u32 v2, $0xB;
	vm6 =	vlt.u32 v2, $0x3BB;
	v2 =	vsub.s32 v4, v0  }
0x90: {  	v14 =	vld [tilespmem:s1+$0xFFFFFFB0];
	v15 =	vshll.u32 v2, $0xB;
	vm1 =	vlt.u32 v2, $0x3BB;
	v4 =	vsub.s32 v8, v0  }
.Ltmp3:
0x91: {  	v2 =	vld [tilespmem:s1+$0xFFFFFFC0];
	v3 =	vshll.u32 v4, $0xB;
	vm2 =	vlt.u32 v4, $0x3BB;
	v5 =	vsub.s32 v10, v0;
	(pc) =	sbr.rel @p1 .LBB2_4-.Ltmp3, $4  }
0x92: {  	v4 =	vld [tilespmem:s1+$0xFFFFFFD0];
	v6 =	vshll.u32 v5, $0xB;
	vm3 =	vlt.u32 v5, $0x3BB;
	v8 =	vsub.s32 v7, v0  }
0x93: {  	v9 =	vadd.s32 v9, v11;
	v5 =	vld [tilespmem:s1+$0xFFFFFFE0];
	v7 =	vshll.u32 v8, $0xB;
	vm4 =	vlt.u32 v8, $0x3BB  }
0x94: {  	v8 =	vld [tilespmem:s1+$0xFFFFFF80];
	v10 =	vnsel vm5, $0xFFFFFFFF, v9;
	v11 =	vadd.s32 v12, v13;
	s1 =	sadd.s32 $0x100, s1  }
0x95: {  	s11 =	sadd.s32 $0x200, s11;
	v9 =	vld [tilespmem:s1+$0x70];
	[tilespmem:s2+$0x1F590] =	vst v10;
	v10 =	vnsel vm6, $0xFFFFFFFF, v11;
	v11 =	vadd.s32 v14, v15  }
0x96: {  	v12 =	vld [tilespmem:s1+$0x0]  }
0x97: {  	v13 =	vld [tilespmem:s1+$0xFFFFFFF0]  }
0x98: {  	v14 =	vld [tilespmem:s1+$0x10]  }
0x99: {  	v15 =	vld [tilespmem:s1+$0x20]  }
0x9a: {  	v42 =	vld [tilespmem:s1+$0x30]  }
0x9b: {  	v43 =	vld [tilespmem:s1+$0x40]  }
0x9c: {  	v11 =	vnsel vm1, $0xFFFFFFFF, v11;
	v2 =	vadd.s32 v2, v3;
	v45 =	vld [tilespmem:s1+$0x50];
	v3 =	vadd.s32 v4, v6  }
0x9d: {  	v16 =	vld [tilespmem:s1+$0x60];
	v2 =	vnsel vm2, $0xFFFFFFFF, v2;
	v3 =	vnsel vm3, $0xFFFFFFFF, v3;
	v5 =	vadd.s32 v5, v7  }
0x9e: {  	v1 =	vadd.s32 v8, v1;
	v5 =	vnsel vm4, $0xFFFFFFFF, v5;
	v44 =	vsub.s32 v9, v0  }
0x9f: {  	v1 =	vnsel vm0, $0xFFFFFFFF, v1;
	v46 =	vsub.s32 v12, v0;
	v47 =	vshll.u32 v44, $0xB  }
0xa0: {  	[tilespmem:s2+$0x1F5A0] =	vst v10;
	v49 =	vld [tilespmem:s1+$0xFFFFFF90];
	vm8 =	vlt.u32 v44, $0x3BB;
	v50 =	vsub.s32 v14, v0;
	v51 =	vsub.s32 v15, v0  }
0xa1: {  	v52 =	vld [tilespmem:s1+$0xFFFFFFA0];
	[tilespmem:s2+$0x1F5D0] =	vst v3;
	v3 =	vsub.s32 v42, v0;
	v55 =	vsub.s32 v43, v0;
	v58 =	vsub.s32 v45, v0  }
0xa2: {  	v54 =	vld [tilespmem:s1+$0xFFFFFFB0];
	[tilespmem:s2+$0x1F5B0] =	vst v11;
	v62 =	vsub.s32 v16, v0;
	v48 =	vshll.u32 v46, $0xB;
	v12 =	vadd.s32 v13, v47  }
0xa3: {  	v56 =	vld [tilespmem:s1+$0xFFFFFFC0];
	[tilespmem:s2+$0x1F5C0] =	vst v2;
	v2 =	vshll.u32 v50, $0xB;
	vm9 =	vlt.u32 v50, $0x3BB;
	v53 =	vshll.u32 v51, $0xB  }
0xa4: {  	[tilespmem:s2+$0x1F5E0] =	vst v5;
	vm10 =	vlt.u32 v51, $0x3BB;
	v57 =	vshll.u32 v3, $0xB;
	vm11 =	vlt.u32 v3, $0x3BB;
	v3 =	vld [tilespmem:s1+$0xFFFFFFD0]  }
0xa5: {  	s11 =	sshra.s32 s9, $0x2;
	v59 =	vld [tilespmem:s1+$0xFFFFFFE0];
	[tilespmem:s2+$0x1F580] =	vst v1;
	vm12 =	vlt.u32 v55, $0x3BB;
	v12 =	vnsel vm8, $0xFFFFFFFF, v12;
	v2 =	vadd.s32 v49, v2  }
0xa6: {  	v61 =	vld [tilespmem:s1+$0xFFFFFF80];
	v1 =	vshll.u32 v55, $0xB;
	v60 =	vadd.s32 v52, v53;
	[tilespmem:s11+$0x1F5F0] =	vst v12;
	v2 =	vnsel vm9, $0xFFFFFFFF, v2  }
0xa7: {  	vm13 =	vlt.u32 v58, $0x3BB;
	v5 =	vadd.s32 v54, v57;
	[tilespmem:s11+$0x1F590] =	vst v2;
	v2 =	vnsel vm10, $0xFFFFFFFF, v60  }
0xa8: {  	v4 =	vshll.u32 v58, $0xB;
	v1 =	vadd.s32 v56, v1;
	[tilespmem:s11+$0x1F5A0] =	vst v2;
	v2 =	vnsel vm11, $0xFFFFFFFF, v5  }
0xa9: {  	v63 =	vshll.u32 v62, $0xB;
	v1 =	vnsel vm12, $0xFFFFFFFF, v1;
	[tilespmem:s11+$0x1F5B0] =	vst v2;
	v2 =	vadd.s32 v3, v4  }
0xaa: {  	vm14 =	vlt.u32 v62, $0x3BB;
	[tilespmem:s11+$0x1F5C0] =	vst v1;
	v1 =	vnsel vm13, $0xFFFFFFFF, v2;
	v2 =	vadd.s32 v59, v63  }
0xab: {  	vm15 =	vlt.u32 v46, $0x3BB;
	v3 =	vadd.s32 v61, v48;
	[tilespmem:s11+$0x1F5D0] =	vst v1;
	v1 =	vnsel vm14, $0xFFFFFFFF, v2  }
0xac: {  	v2 =	vnsel vm15, $0xFFFFFFFF, v3;
	[tilespmem:s11+$0x1F5E0] =	vst v1  }
0xad: {  	s2 =	simm.s32 $0x1F580;
	[tilespmem:s11+$0x1F580] =	vst v2;
	(ifvalue) =	ssetifvalue $0xFFFFFFFF  }
0xae: {  	[spmem:s3] =	stream.indirect.scatter.add.f32 [tilespmem:s31], [sflag:$0x4], $0x1, s2, s4, $0x40b8;
	[tilespmem:$0x1FD80] =	vst v63  }
0xaf: {  	s9 =	simm.s32 $0x1F600;
	s11 =	simm.s32 $0x1EE00;
	(ifvalue) =	ssetifvalue $0xFFFFFFFF  }
0xb0: {  	[spmem:s3] =	stream.indirect.scatter.add.f32 [tilespmem:s11], [sflag:$0x4], $0x1, s9, s4, $0x40b8;
	[tilespmem:$0x1FD80] =	vst v63  }
0xb1: {  	s9 =	simm.s32 $0x1F680;
	s11 =	simm.s32 $0x1EE80;
	(ifvalue) =	ssetifvalue $0xFFFFFFFF  }
0xb2: {  	[spmem:s3] =	stream.indirect.scatter.add.f32 [tilespmem:s11], [sflag:$0x4], $0x1, s9, s4, $0x40b8;
	[tilespmem:$0x1FD80] =	vst v63  }
0xb3: {  	s9 =	simm.s32 $0x1F700;
	s11 =	simm.s32 $0x1EF00;
	(ifvalue) =	ssetifvalue $0xFFFFFFFF  }
0xb4: {  	[spmem:s3] =	stream.indirect.scatter.add.f32 [tilespmem:s11], [sflag:$0x4], $0x1, s9, s4, $0x40b8;
	[tilespmem:$0x1FD80] =	vst v63  }
0xb5: {  	s9 =	simm.s32 $0x1F780;
	s11 =	simm.s32 $0x1EF80;
	(ifvalue) =	ssetifvalue $0xFFFFFFFF  }
0xb6: {  	[spmem:s3] =	stream.indirect.scatter.add.f32 [tilespmem:s11], [sflag:$0x4], $0x1, s9, s4, $0x40b8;
	[tilespmem:$0x1FD80] =	vst v63  }
0xb7: {  	s9 =	simm.s32 $0x1F800;
	s11 =	simm.s32 $0x1F000;
	(ifvalue) =	ssetifvalue $0xFFFFFFFF  }
0xb8: {  	[spmem:s3] =	stream.indirect.scatter.add.f32 [tilespmem:s11], [sflag:$0x4], $0x1, s9, s4, $0x40b8;
	[tilespmem:$0x1FD80] =	vst v63  }
0xb9: {  	s9 =	simm.s32 $0x1F880;
	s11 =	simm.s32 $0x1F080;
	(ifvalue) =	ssetifvalue $0xFFFFFFFF  }
0xba: {  	[spmem:s3] =	stream.indirect.scatter.add.f32 [tilespmem:s11], [sflag:$0x4], $0x1, s9, s4, $0x40b8;
	[tilespmem:$0x1FD80] =	vst v63  }
0xbb: {  	s9 =	simm.s32 $0x1F900;
	s11 =	simm.s32 $0x1F100;
	(ifvalue) =	ssetifvalue $0xFFFFFFFF  }
0xbc: {  	[spmem:s3] =	stream.indirect.scatter.add.f32 [tilespmem:s11], [sflag:$0x4], $0x1, s9, s4, $0x40b8;
	[tilespmem:$0x1FD80] =	vst v63  }
0xbd: {  	s9 =	simm.s32 $0x1F980;
	s11 =	simm.s32 $0x1F180;
	(ifvalue) =	ssetifvalue $0xFFFFFFFF  }
0xbe: {  	[spmem:s3] =	stream.indirect.scatter.add.f32 [tilespmem:s11], [sflag:$0x4], $0x1, s9, s4, $0x40b8;
	[tilespmem:$0x1FD80] =	vst v63  }
0xbf: {  	s2 =	simm.s32 $0x1FA00;
	s9 =	simm.s32 $0x1F200;
	(ifvalue) =	ssetifvalue $0xFFFFFFFF  }
0xc0: {  	[spmem:s3] =	stream.indirect.scatter.add.f32 [tilespmem:s9], [sflag:$0x4], $0x1, s2, s4, $0x40b8;
	[tilespmem:$0x1FD80] =	vst v63  }
0xc1: {  	s11 =	simm.s32 $0x1FA80;
	(ifvalue) =	ssetifvalue $0xFFFFFFFF  }
0xc2: {  	[spmem:s3] =	stream.indirect.scatter.add.f32 [tilespmem:s12], [sflag:$0x4], $0x1, s11, s4, $0x40b8;
	[tilespmem:$0x1FD80] =	vst v63  }
0xc3: {  	(ifvalue) =	ssetifvalue $0xFFFFFFFF  }
0xc4: {  	[spmem:s3] =	stream.indirect.scatter.add.f32 [tilespmem:s17], [sflag:$0x4], $0x1, s16, s4, $0x40b8;
	[tilespmem:$0x1FD80] =	vst v63  }
0xc5: {  	s1 =	sadd.s32 s10, s13;
	(ifvalue) =	ssetifvalue $0xFFFFFFFF  }
0xc6: {  	[spmem:s3] =	stream.indirect.scatter.add.f32 [tilespmem:s19], [sflag:$0x4], $0x1, s18, s4, $0x40b8;
	[tilespmem:$0x1FD80] =	vst v63  }
0xc7: {  	p1 =	sgt.u32 s1, $0x44C;
	(ifvalue) =	ssetifvalue $0xFFFFFFFF  }
0xc8: {  	[spmem:s3] =	stream.indirect.scatter.add.f32 [tilespmem:s21], [sflag:$0x4], $0x1, s20, s4, $0x40b8;
	[tilespmem:$0x1FD80] =	vst v63  }
0xc9: {  	p3 =	seq.s32 @!p1 s1, $0x44C;
	(ifvalue) =	ssetifvalue $0xFFFFFFFF  }
0xca: {  	[spmem:s3] =	stream.indirect.scatter.add.f32 [tilespmem:s23], [sflag:$0x4], $0x1, s22, s4, $0x40b8;
	[tilespmem:$0x1FD80] =	vst v63  }
0xcb: {  	p2 =	por p3, p1;
	(ifvalue) =	ssetifvalue $0xFFFFFFFF  }
0xcc: {  	[spmem:s3] =	stream.indirect.scatter.add.f32 [tilespmem:s25], [sflag:$0x4], $0x1, s24, s4, $0x40b8;
	[tilespmem:$0x1FD80] =	vst v63  }
0xcd: {  	s2 =	sshll.u32 @!p2 s1, $0x9;
	s9 =	rddreg [dreg:$0x0]  }
0xce: {  	p3 =	por !p3, p1;
	s2 =	sadd.s32 @!p2 s9, s2;
	s9 =	smov.u32 s6  }
0xcf: {  	s11 =	simm.s32 @!p1 $0x1DD80;
	s9 =	smov.u32 @p3 s2;
	s2 =	simm.s32 @!p1 $0x0  }
0xd0: {  	[tilespmem:s11], [sflag:$0x2] =	stream.linear.gather @!p1 [hbm4b:s9+s2], $0x1000, $0x38;
	[tilespmem:$0x1FD80] =	vst v63  }
0xd1: {  	_ =	swait.ge [sflag:s26], $0x80  }
0xd2: {  	[sflag:s26] =	ssyncset.done $0x0  }
0xd3: {  	[sflag:s26] =	ssyncadd.s32 $0xFFFFFF80  }
0xd4: {  	_ =	swait.ge [sflag:s26], $0x80  }
0xd5: {  	[sflag:s26] =	ssyncset.done $0x0  }
0xd6: {  	[sflag:s26] =	ssyncadd.s32 $0xFFFFFF80  }
0xd7: {  	_ =	swait.ge [sflag:s26], $0x80  }
0xd8: {  	[sflag:s26] =	ssyncset.done $0x0  }
0xd9: {  	[sflag:s26] =	ssyncadd.s32 $0xFFFFFF80  }
0xda: {  	_ =	swait.ge [sflag:s26], $0x80  }
0xdb: {  	[sflag:s26] =	ssyncset.done $0x0  }
0xdc: {  	[sflag:s26] =	ssyncadd.s32 $0xFFFFFF80  }
0xdd: {  	_ =	swait.ge [sflag:s26], $0x80  }
0xde: {  	[sflag:s26] =	ssyncset.done $0x0  }
0xdf: {  	[sflag:s26] =	ssyncadd.s32 $0xFFFFFF80  }
0xe0: {  	_ =	swait.ge [sflag:s26], $0x80  }
0xe1: {  	[sflag:s26] =	ssyncset.done $0x0  }
0xe2: {  	[sflag:s26] =	ssyncadd.s32 $0xFFFFFF80  }
0xe3: {  	_ =	swait.ge [sflag:s26], $0x80  }
0xe4: {  	[sflag:s26] =	ssyncset.done $0x0  }
0xe5: {  	[sflag:s26] =	ssyncadd.s32 $0xFFFFFF80  }
0xe6: {  	_ =	swait.ge [sflag:s26], $0x80  }
0xe7: {  	[sflag:s26] =	ssyncset.done $0x0  }
0xe8: {  	[sflag:s26] =	ssyncadd.s32 $0xFFFFFF80  }
0xe9: {  	_ =	swait.ge [sflag:s26], $0x80  }
0xea: {  	[sflag:s26] =	ssyncset.done $0x0  }
0xeb: {  	[sflag:s26] =	ssyncadd.s32 $0xFFFFFF80  }
0xec: {  	_ =	swait.ge [sflag:s26], $0x80  }
0xed: {  	[sflag:s26] =	ssyncset.done $0x0  }
0xee: {  	[sflag:s26] =	ssyncadd.s32 $0xFFFFFF80  }
0xef: {  	_ =	swait.ge [sflag:s26], $0x80  }
0xf0: {  	[sflag:s26] =	ssyncset.done $0x0  }
0xf1: {  	[sflag:s26] =	ssyncadd.s32 $0xFFFFFF80  }
0xf2: {  	_ =	swait.ge [sflag:s26], $0x80  }
0xf3: {  	[sflag:s26] =	ssyncset.done $0x0  }
0xf4: {  	[sflag:s26] =	ssyncadd.s32 $0xFFFFFF80  }
0xf5: {  	_ =	swait.ge [sflag:s26], $0x80  }
0xf6: {  	[sflag:s26] =	ssyncset.done $0x0  }
0xf7: {  	[sflag:s26] =	ssyncadd.s32 $0xFFFFFF80  }
0xf8: {  	_ =	swait.ge [sflag:s26], $0x80  }
0xf9: {  	[sflag:s26] =	ssyncset.done $0x0  }
0xfa: {  	[sflag:s26] =	ssyncadd.s32 $0xFFFFFF80  }
0xfb: {  	_ =	swait.ge [sflag:s26], $0x80  }
0xfc: {  	[sflag:s26] =	ssyncset.done $0x0  }
0xfd: {  	[sflag:s26] =	ssyncadd.s32 $0xFFFFFF80  }
0xfe: {  	_ =	swait.ge [sflag:s26], $0x80  }
.Ltmp4:
0xff: {  	[sflag:s26] =	ssyncset.done $0x0;
	(pc) =	sbr.rel .LBB2_6-.Ltmp4, $4  }
0x100: {  	s1 =	sshll.u32 @!p2 s1, $0x8;
	s9 =	rddreg [dreg:$0x1]  }
0x101: {  	s1 =	sadd.s32 @!p2 s9, s1;
	s9 =	smov.u32 s7  }
0x102: {  	[sflag:s26] =	ssyncadd.s32 $0xFFFFFF80;
	s9 =	smov.u32 @p3 s1;
	s1 =	simm.s32 @!p1 $0x1ED80  }
0x103: {  	[tilespmem:s1], [sflag:$0x3] =	stream.linear.gather @!p1 [hbm4b:s9+s2], $0x800, $0x38;
	[tilespmem:$0x1FD80] =	vst v63  }
.LBB2_7:
0x104: {  	s2 =	sadd.s32 $0x0, s5;
	[bflag:$0x0] =	sbarrier.arrive $0xFFFF  }
0x105: {  	p1 =	sgt.u32 s2, $0xBE;
	s2 =	rddreg [dreg:$0x9]  }
0x106: {  	s1 =	simm.s32 $0x10;
	s11 =	rddreg [dreg:$0xa]  }
0x107: {  	s13 =	sshrl.u32 @!p1 s2, $0x3;
	s2 =	sadd.s32 $0x28000, s2;
	s9 =	sadd.s32 $0x5000, s11  }
.LBB2_8:
0x108: {  	[hbm:s11], [sflag:s14] =	dma.local @!p1 [spmem:s13], $0x500  }
0x109: {  	s13 =	smov.u32 s1;
	s1 =	sadd.s32 $0x10, s1  }
0x10a: {  	p2 =	sne.s32 s1, $0xC0  }
.Ltmp5:
0x10b: {  	(pc) =	sbr.rel @p2 .LBB2_8-.Ltmp5, $4  }
0x10c: {  	s11 =	smov.u32 s9  }
0x10d: {  	s13 =	sadd.s32 s13, s5  }
0x10e: {  	p1 =	sgt.u32 s13, $0xBE  }
0x10f: {  	s9 =	sadd.s32 $0x5000, s9;
	s13 =	sshrl.u32 @!p1 s2, $0x3;
	s2 =	sadd.s32 $0x28000, s2  }
0x110: {  	[hbm:s11], [sflag:s14] =	dma.local @!p1 [spmem:s13], $0x500  }
0x111: {  	_ =	swait.ge [sflag:s29], $0x500  }
0x112: {  	[sflag:s29] =	ssyncset.done $0x0  }
0x113: {  	[sflag:s29] =	ssyncadd.s32 $0xFFFFFB00  }
0x114: {  	_ =	swait.ge [sflag:s29], $0x500  }
0x115: {  	[sflag:s29] =	ssyncset.done $0x0  }
0x116: {  	[sflag:s29] =	ssyncadd.s32 $0xFFFFFB00  }
0x117: {  	_ =	swait.ge [sflag:s29], $0x500  }
0x118: {  	[sflag:s29] =	ssyncset.done $0x0  }
0x119: {  	[sflag:s29] =	ssyncadd.s32 $0xFFFFFB00  }
0x11a: {  	_ =	swait.ge [sflag:s29], $0x500  }
0x11b: {  	[sflag:s29] =	ssyncset.done $0x0  }
0x11c: {  	[sflag:s29] =	ssyncadd.s32 $0xFFFFFB00  }
0x11d: {  	_ =	swait.ge [sflag:s29], $0x500  }
0x11e: {  	[sflag:s29] =	ssyncset.done $0x0  }
0x11f: {  	[sflag:s29] =	ssyncadd.s32 $0xFFFFFB00  }
0x120: {  	_ =	swait.ge [sflag:s29], $0x500  }
0x121: {  	[sflag:s29] =	ssyncset.done $0x0  }
0x122: {  	[sflag:s29] =	ssyncadd.s32 $0xFFFFFB00  }
0x123: {  	_ =	swait.ge [sflag:s29], $0x500  }
0x124: {  	[sflag:s29] =	ssyncset.done $0x0  }
0x125: {  	[sflag:s29] =	ssyncadd.s32 $0xFFFFFB00  }
0x126: {  	_ =	swait.ge [sflag:s29], $0x500  }
0x127: {  	[sflag:s29] =	ssyncset.done $0x0  }
0x128: {  	[sflag:s29] =	ssyncadd.s32 $0xFFFFFB00  }
0x129: {  	_ =	swait.ge [sflag:s29], $0x500  }
0x12a: {  	[sflag:s29] =	ssyncset.done $0x0  }
0x12b: {  	[sflag:s29] =	ssyncadd.s32 $0xFFFFFB00  }
0x12c: {  	_ =	swait.ge [sflag:s29], $0x500  }
0x12d: {  	[sflag:s29] =	ssyncset.done $0x0  }
0x12e: {  	[sflag:s29] =	ssyncadd.s32 $0xFFFFFB00  }
0x12f: {  	_ =	swait.ge [sflag:s29], $0x500  }
0x130: {  	[sflag:s29] =	ssyncset.done $0x0  }
0x131: {  	s1 =	simm.s32 @!p0 $0x1;
	[sflag:s29] =	ssyncadd.s32 $0xFFFFFB00  }
0x132: {  	_ =	swait.ge @!p0 [sflag:s1], $0x500  }
0x133: {  	s9 =	rddreg [dreg:$0x16]  }
0x134: {  	s2 =	rddreg [dreg:$0x8];
	s9 =	sadd.s32 $0x1, s9  }
0x135: {  	p1 =	sne.s32 s9, s2  }
.Ltmp6:
0x136: {  	_ = 	snop;
	(pc) =	sbr.rel @p1 .LBB2_1-.Ltmp6, $3  }
0x137: {  	_ =	sdelay $0x1  }
0x138: {  	[sflag:s1] =	ssyncset.done @!p0 $0x0  }
0x139: {  	[sflag:s1] =	ssyncadd.s32 @!p0 $0xFFFFFB00  }
0x13a: {  	_ =	sfence.sel $0x180000  }
0x13b: {  	[bflag:$0x0] =	sbarrier.arrive $0xFFFF  }
0x13c: {  	_ =	strace $0x90000047  }
0x13d: {  	[bflag:$0x2] =	sbarrier.arrive $0xFFFF  }
0x13e: {  	p0 =	sne.s32 s5, $0x0;
	s0 =	rddreg [dreg:$0x5]  }
0x13f: {  	s0 =	sadd.s32 @!p0 $0x100000, s0  }
0x140: {  	[sflag:s0] =	ssyncadd.tile.s32 @!p0 $0x1;
	_ =	shalt  }
.Lfunc_end2:
_tile_overlayer_lowered:
.L_overlay_start_2:
0x141: {  	(tag) =	ssettag $0x2  }
0x142: {  	s0 =	rddreg [dreg:$0x0];
	s2 =	stileid.u32  }
0x143: {  	s1 =	rddreg [dreg:$0x1];
	p0 =	sne.s32 s2, $0x0  }
0x144: {  	s3 =	rddreg [dreg:$0x2];
	[bflag:$0x3] =	sbarrier.arrive $0xFFFF;
	s2 =	simm.s32 @!p0 $0x1C05  }
0x145: {  	[timem:s3], [sflag:s2] =	dma.local @!p0 [hbm:s0], s1  }
0x146: {  	s0 =	simm.s32 @!p0 $0x5  }
0x147: {  	_ =	swait.ge @!p0 [sflag:s0], s1  }
0x148: {  	s1 =	ssub.s32 @!p0 $0x0, s1;
	[sflag:s0] =	ssyncset.done @!p0 $0x0  }
0x149: {  	[sflag:s0] =	ssyncadd.s32 @!p0 s1  }
0x14a: {  	[bflag:$0x3] =	sbarrier.arrive $0xFFFF  }
0x14b: {  	_ =	shalt  }

</sc_bundles>
